<compile_context>
chip_gen: v7x
topology: tpu7x:2x2x1
jax: 0.10.2.dev20260603
libtpu: 0.0.44.dev20260713+nightly
codegen_flags: <defaults>
</compile_context>

<pallas_src>
import functools

import jax
import jax.numpy as jnp
from jax import lax
from jax.experimental import pallas as pl
from jax.experimental.pallas import tpu as pltpu
from jax.experimental.pallas import tpu_sc as plsc

B, L, V, H, T = 1024, 200, 100000, 128, 32
N = B * L
CHUNK = 128
RB = 2048
EPS = 1e-12

_NC, _NS = 2, 16
_NW = _NC * _NS

_NSPLIT = 2
_NROWS = N // _NSPLIT
_NBH = _NROWS // RB
_NBUF = 5


@functools.cache
def _sc_gather_kernel(n_rows):
    rpw = n_rows // _NW
    cpw = rpw // CHUNK
    ngrp = cpw // _NBUF
    assert cpw % _NBUF == 0
    mesh = plsc.VectorSubcoreMesh(core_axis_name="c", subcore_axis_name="s")

    @functools.partial(
        pl.kernel,
        mesh=mesh,
        out_type=jax.ShapeDtypeStruct((n_rows, H), jnp.float32),
        scratch_types=[
            pltpu.VMEM((cpw, CHUNK), jnp.int32),
        ] + [pltpu.VMEM((CHUNK, H), jnp.float32) for _ in range(_NBUF)]
          + [pltpu.SemaphoreType.DMA for _ in range(2 * _NBUF)],
    )
    def _sc_gather(word_hbm, idx_hbm, out_hbm, idx_v, *bufs_sems):
        bufs = bufs_sems[:_NBUF]
        gsem = bufs_sems[_NBUF:2 * _NBUF]
        wsem = bufs_sems[2 * _NBUF:]
        wid = lax.axis_index("s") * _NC + lax.axis_index("c")
        pltpu.sync_copy(idx_hbm.at[wid], idx_v)
        row_base = wid * rpw

        for b in range(_NBUF):
            pltpu.async_copy(word_hbm.at[idx_v.at[b]], bufs[b], gsem[b])

        def _group(p, carry):
            for b in range(_NBUF):
                c = p * _NBUF + b
                pltpu.make_async_copy(word_hbm.at[idx_v.at[c]], bufs[b],
                                      gsem[b]).wait()
                pltpu.async_copy(
                    bufs[b], out_hbm.at[pl.ds(row_base + c * CHUNK, CHUNK)],
                    wsem[b])
            for b in range(_NBUF):
                @pl.when(p + 1 < ngrp)
                def _():
                    c2 = (p + 1) * _NBUF + b
                    pltpu.make_async_copy(
                        bufs[b], out_hbm.at[pl.ds(row_base, CHUNK)],
                        wsem[b]).wait()
                    pltpu.async_copy(word_hbm.at[idx_v.at[c2]], bufs[b],
                                     gsem[b])
            return carry

        lax.fori_loop(0, ngrp, _group, 0)
        for b in range(_NBUF):
            pltpu.make_async_copy(bufs[b], out_hbm.at[pl.ds(row_base, CHUNK)],
                                  wsem[b]).wait()

    return _sc_gather


def _fast_sin(x):
    f32 = jnp.float32
    k = jnp.round(x * f32(0.15915494309189535))
    r = x - k * f32(6.2831854820251465)
    r2 = r * r
    p = f32(2.7557319223985893e-06) + r2 * f32(-2.505210838544172e-08)
    p = f32(-0.0001984126984126984) + r2 * p
    p = f32(0.008333333333333333) + r2 * p
    p = f32(-0.16666666666666666) + r2 * p
    return r + r * r2 * p


_DN0 = (((0,), (0,)), ((), ()))


def _tc_body(code_ref, sc_ref, fw_ref, fphi_ref,
             w_ref, b_ref, ts_ref, ord_ref, g_ref, beta_ref,
             out_ref):
    f32 = jnp.float32
    sc = sc_ref[...]
    daT = sc[0:2]
    daT_hi = daT.astype(jnp.bfloat16).astype(f32)
    daT_lo = daT - daT_hi
    fw = fw_ref[...]
    fw_hi = fw.astype(jnp.bfloat16).astype(f32)
    fw_lo = fw - fw_hi
    arg = (lax.dot_general(daT_hi, fw_hi, _DN0, preferred_element_type=f32)
           + lax.dot_general(daT_lo, fw_hi, _DN0, preferred_element_type=f32)
           + lax.dot_general(daT_hi, fw_lo, _DN0, preferred_element_type=f32))
    feats = _fast_sin(arg + fphi_ref[...])
    w = w_ref[...]
    acc = jnp.dot(code_ref[...], w[:H], preferred_element_type=f32)
    acc += jnp.dot(feats, w[H:], preferred_element_type=f32)
    tok = jnp.tanh(acc + b_ref[...])
    i32 = jnp.int32
    oh_ts = (sc[2:3, :].astype(i32)
             == lax.broadcasted_iota(i32, (32, RB), 0)).astype(f32)
    oh_o = (sc[3:4, :].astype(i32)
            == lax.broadcasted_iota(i32, (512, RB), 0)).astype(jnp.bfloat16)
    tok += lax.dot_general(oh_ts, ts_ref[...], _DN0, preferred_element_type=f32)
    tok += lax.dot_general(oh_o, ord_ref[...], _DN0, preferred_element_type=f32)
    ones_m = jnp.full((H, H), 1.0 / H, f32)
    mu = jnp.dot(tok, ones_m, preferred_element_type=f32)
    xc = tok - mu
    var = jnp.dot(xc * xc, ones_m, preferred_element_type=f32)
    out_ref[...] = xc * lax.rsqrt(var + EPS) * g_ref[...] + beta_ref[...]


def _row_spec(cols):
    return pl.BlockSpec((RB, cols), lambda i: (i, 0))


def _full_spec(shape):
    return pl.BlockSpec(shape, lambda i: (0, 0))


def _tc_body_alias(prev_ref, *refs):
    del prev_ref
    _tc_body(*refs)


@functools.cache
def _tc_call_half(h):
    in_specs = [
        _row_spec(H),
        pl.BlockSpec((8, RB), lambda i: (0, i + h * _NBH)),
        _full_spec((2, 2 * T)), _full_spec((1, 2 * T)),
        _full_spec((H + 2 * T, H)), _full_spec((1, H)),
        _full_spec((32, H)), _full_spec((512, H)),
        _full_spec((1, H)), _full_spec((1, H)),
    ]
    out_specs = pl.BlockSpec((RB, H), lambda i: (i + h * _NBH, 0))
    out_shape = jax.ShapeDtypeStruct((N, H), jnp.float32)
    if h == 0:
        return pl.pallas_call(
            _tc_body, grid=(_NBH,), in_specs=in_specs,
            out_specs=out_specs, out_shape=out_shape)
    return pl.pallas_call(
        _tc_body_alias, grid=(_NBH,),
        in_specs=[pl.BlockSpec(memory_space=pl.ANY)] + in_specs,
        out_specs=out_specs, out_shape=out_shape,
        input_output_aliases={0: 0})


def kernel(input_ids, token_type_ids, time_stamps, ages, visit_orders,
           visit_segments, word_emb, type_emb, order_emb, seg_emb,
           time_w, time_phi, age_w, age_phi, proj_W, proj_b,
           ln_gamma, ln_beta):
    f32 = jnp.float32
    word_f = word_emb.astype(f32)
    cpw = _NROWS // _NW // CHUNK
    ids = input_ids.astype(jnp.int32).reshape(_NSPLIT, _NW, cpw, CHUNK)
    codes = [_sc_gather_kernel(_NROWS)(word_f, ids[h])
             for h in range(_NSPLIT)]

    ts = time_stamps.astype(f32)
    deltas = jnp.concatenate([ts[:, :1] * 0.0, ts[:, 1:] - ts[:, :-1]], axis=-1)
    tt_i = token_type_ids.astype(jnp.int32).reshape(N)
    vs_i = visit_segments.astype(jnp.int32).reshape(N)
    d_f = deltas.reshape(N)
    a_f = ages.astype(f32).reshape(N)
    zrow = jnp.zeros((N,), f32)
    scal = jnp.stack(
        [d_f, a_f,
         (tt_i * 3 + vs_i).astype(f32),
         visit_orders.astype(f32).reshape(N),
         zrow, zrow, zrow, zrow], axis=0)
    zero = jnp.zeros((1, T), f32)
    fw = jnp.concatenate(
        [jnp.concatenate([time_w.astype(f32), zero], axis=1),
         jnp.concatenate([zero, age_w.astype(f32)], axis=1)], axis=0)
    fphi = jnp.concatenate([time_phi.astype(f32), age_phi.astype(f32)], axis=1)

    tables = (
        fw, fphi,
        proj_W.astype(f32), proj_b.astype(f32).reshape(1, H),
        jnp.pad((type_emb.astype(f32)[:, None, :]
                 + seg_emb.astype(f32)[None, :, :]).reshape(30, H),
                ((0, 2), (0, 0))),
        order_emb.astype(jnp.bfloat16),
        ln_gamma.astype(f32).reshape(1, H),
        ln_beta.astype(f32).reshape(1, H),
    )
    out2d = _tc_call_half(0)(codes[0], scal, *tables)
    out2d = _tc_call_half(1)(out2d, codes[1], scal, *tables)
    return out2d.reshape(B, L, H)

# --- scband reference (transcript-rebuilt; emitter-appended) ---
"""Pipeline reference for scband-ehrmamba-embedding-adapter-16140487098517 (READ-ONLY COPY).

The authoritative reference and input builder live on the scoring server;
editing this copy changes nothing except your own understanding.
"""

import jax, jax.numpy as jnp
import numpy as np

B, L, V, H, T = 1024, 200, 100000, 128, 32


def setup_inputs(seed: int = 0) -> dict:
    key = jax.random.key(seed)
    ks = jax.random.split(key, 16)
    inp = {}
    inp["input_ids"] = jax.random.randint(ks[0], (B, L), 0, V)
    inp["token_type_ids"] = jax.random.randint(ks[1], (B, L), 0, 10)
    inp["time_stamps"] = jax.random.uniform(ks[2], (B, L), dtype=jnp.float32) * 100.0
    inp["ages"] = jax.random.uniform(ks[3], (B, L), dtype=jnp.float32) * 90.0
    inp["visit_orders"] = jax.random.randint(ks[4], (B, L), 0, 512)
    inp["visit_segments"] = jax.random.randint(ks[5], (B, L), 0, 3)
    inp["word_emb"] = jax.random.normal(ks[6], (V, H), dtype=jnp.float32) * 0.02
    inp["type_emb"] = jax.random.normal(ks[7], (10, H), dtype=jnp.float32) * 0.02
    inp["order_emb"] = jax.random.normal(ks[8], (512, H), dtype=jnp.float32) * 0.02
    inp["seg_emb"] = jax.random.normal(ks[9], (3, H), dtype=jnp.float32) * 0.02
    inp["time_w"] = jax.random.normal(ks[10], (1, T), dtype=jnp.float32) * 0.1
    inp["time_phi"] = jax.random.normal(ks[11], (1, T), dtype=jnp.float32) * 0.1
    inp["age_w"] = jax.random.normal(ks[12], (1, T), dtype=jnp.float32) * 0.1
    inp["age_phi"] = jax.random.normal(ks[13], (1, T), dtype=jnp.float32) * 0.1
    inp["proj_W"] = jax.random.normal(ks[14], (H + 2 * T, H), dtype=jnp.float32) * 0.05
    inp["proj_b"] = jnp.zeros((H,), dtype=jnp.float32)
    inp["ln_gamma"] = jnp.ones((H,), dtype=jnp.float32)
    inp["ln_beta"] = jnp.zeros((H,), dtype=jnp.float32)
    return inp


def reference(input_ids, token_type_ids, time_stamps, ages, visit_orders, visit_segments,
              word_emb, type_emb, order_emb, seg_emb,
              time_w, time_phi, age_w, age_phi,
              proj_W, proj_b, ln_gamma, ln_beta):
    # time deltas (is_time_delta=True)
    deltas = jnp.concatenate([time_stamps[:, :1] * 0.0,
                              time_stamps[:, 1:] - time_stamps[:, :-1]], axis=-1)
    time_e = jnp.sin(deltas[..., None] * time_w[0] + time_phi[0])      # (B,L,T)
    age_e = jnp.sin(ages[..., None] * age_w[0] + age_phi[0])           # (B,L,T)
    code_e = jnp.take(word_emb, input_ids, axis=0)                      # (B,L,H)
    fused = jnp.tanh(jnp.concatenate([code_e, time_e, age_e], axis=-1) @ proj_W + proj_b)
    tok = (fused
           + jnp.take(type_emb, token_type_ids, axis=0)
           + jnp.take(order_emb, visit_orders, axis=0)
           + jnp.take(seg_emb, visit_segments, axis=0))
    # dropout is identity in eval; LayerNorm eps=1e-12
    mu = jnp.mean(tok, axis=-1, keepdims=True)
    var = jnp.var(tok, axis=-1, keepdims=True)
    out = (tok - mu) / jnp.sqrt(var + 1e-12) * ln_gamma + ln_beta
    return out

if __name__ == "__main__":
    import jax
    _d = setup_inputs()
    print(jax.jit(kernel)(*tuple(_d.values())))

</pallas_src>

<mosaic_0001>
#map = affine_map<(d0, d1) -> (0, 0)>
#map1 = affine_map<(d0, d1) -> (0, 0, 0)>
module attributes {stable_mosaic.version = 14 : i64} {
  func.func @_sc_gather(%arg0: i32, %arg1: i32, %arg2: memref<100000x128xf32, #tpu.memory_space<hbm>>, %arg3: memref<32x25x128xi32, #tpu.memory_space<hbm>>, %arg4: memref<102400x128xf32, #tpu.memory_space<hbm>>, %arg5: memref<25x128xi32, #tpu.memory_space<vmem>>, %arg6: memref<128x128xf32, #tpu.memory_space<vmem>>, %arg7: memref<128x128xf32, #tpu.memory_space<vmem>>, %arg8: memref<128x128xf32, #tpu.memory_space<vmem>>, %arg9: memref<128x128xf32, #tpu.memory_space<vmem>>, %arg10: memref<128x128xf32, #tpu.memory_space<vmem>>, %arg11: memref<!tpu.dma_semaphore, #tpu.memory_space<semaphore_mem>>, %arg12: memref<!tpu.dma_semaphore, #tpu.memory_space<semaphore_mem>>, %arg13: memref<!tpu.dma_semaphore, #tpu.memory_space<semaphore_mem>>, %arg14: memref<!tpu.dma_semaphore, #tpu.memory_space<semaphore_mem>>, %arg15: memref<!tpu.dma_semaphore, #tpu.memory_space<semaphore_mem>>, %arg16: memref<!tpu.dma_semaphore, #tpu.memory_space<semaphore_mem>>, %arg17: memref<!tpu.dma_semaphore, #tpu.memory_space<semaphore_mem>>, %arg18: memref<!tpu.dma_semaphore, #tpu.memory_space<semaphore_mem>>, %arg19: memref<!tpu.dma_semaphore, #tpu.memory_space<semaphore_mem>>, %arg20: memref<!tpu.dma_semaphore, #tpu.memory_space<semaphore_mem>>) attributes {dimension_semantics = [#tpu.dimension_semantics<core_parallel>, #tpu.dimension_semantics<subcore_parallel>], iteration_bounds = array<i64: 2, 16>, scalar_prefetch = 0 : i64, scratch_operands = 16 : i64, tpu.core_type = #tpu.core_type<sc_vector_subcore>, window_params = [{transform_indices = #map}, {transform_indices = #map1}, {transform_indices = #map}]} {
    %mul3A = arith.constant 2 : i32
    %mul3A_0 = arith.muli %arg1, %mul3A : i32
    %add3A = arith.addi %mul3A_0, %arg0 : i32
    "tpu.region"() ({
      %run_scoped3A = tpu.sem_alloc : memref<!tpu.dma_semaphore, #tpu.memory_space<semaphore_mem>>
      %dma_start3A_61 = arith.constant 0 : i32
      %dma_start3A_62 = arith.constant 0 : i32
      %dma_start3A_63 = tpu.memref_slice %arg3[%add3A, %dma_start3A_61, %dma_start3A_62] : memref<32x25x128xi32, #tpu.memory_space<hbm>> -> memref<1x25x128xi32, #tpu.memory_space<hbm>>
      %dma_start3A_64 = tpu.memref_squeeze %dma_start3A_63 : memref<1x25x128xi32, #tpu.memory_space<hbm>> -> memref<25x128xi32, #tpu.memory_space<hbm>>
      %dma_start3A_65 = arith.constant 0 : i32
      %dma_start3A_66 = arith.constant 0 : i32
      %dma_start3A_67 = tpu.memref_slice %arg3[%add3A, %dma_start3A_65, %dma_start3A_66] : memref<32x25x128xi32, #tpu.memory_space<hbm>> -> memref<1x25x128xi32, #tpu.memory_space<hbm>>
      %dma_start3A_68 = tpu.memref_squeeze %dma_start3A_67 : memref<1x25x128xi32, #tpu.memory_space<hbm>> -> memref<25x128xi32, #tpu.memory_space<hbm>>
      tpu.enqueue_dma source(%dma_start3A_68 : memref<25x128xi32, #tpu.memory_space<hbm>>) target(%arg5 : memref<25x128xi32, #tpu.memory_space<vmem>>) target_semaphore(%run_scoped3A : memref<!tpu.dma_semaphore, #tpu.memory_space<semaphore_mem>>)
      %dma_wait3A_69 = arith.constant 0 : i32
      %dma_wait3A_70 = arith.constant 0 : i32
      %dma_wait3A_71 = tpu.memref_slice %arg3[%add3A, %dma_wait3A_69, %dma_wait3A_70] : memref<32x25x128xi32, #tpu.memory_space<hbm>> -> memref<1x25x128xi32, #tpu.memory_space<hbm>>
      %dma_wait3A_72 = tpu.memref_squeeze %dma_wait3A_71 : memref<1x25x128xi32, #tpu.memory_space<hbm>> -> memref<25x128xi32, #tpu.memory_space<hbm>>
      %dma_wait3A_73 = arith.constant 0 : i32
      %dma_wait3A_74 = arith.constant 0 : i32
      %dma_wait3A_75 = tpu.memref_slice %arg3[%add3A, %dma_wait3A_73, %dma_wait3A_74] : memref<32x25x128xi32, #tpu.memory_space<hbm>> -> memref<1x25x128xi32, #tpu.memory_space<hbm>>
      %dma_wait3A_76 = tpu.memref_squeeze %dma_wait3A_75 : memref<1x25x128xi32, #tpu.memory_space<hbm>> -> memref<25x128xi32, #tpu.memory_space<hbm>>
      tpu.wait_dma2 semaphore(%run_scoped3A : memref<!tpu.dma_semaphore, #tpu.memory_space<semaphore_mem>>) src(%dma_wait3A_76 : memref<25x128xi32, #tpu.memory_space<hbm>>) dst(%arg5 : memref<25x128xi32, #tpu.memory_space<vmem>>)
      tpu.yield
    }) : () -> ()
    %mul3A_1 = arith.constant 3200 : i32
    %mul3A_2 = arith.muli %add3A, %mul3A_1 : i32
    %dma_start3A = arith.constant 0 : i32
    %dma_start3A_3 = arith.constant 0 : i32
    %dma_start3A_4 = tpu.memref_slice %arg5[%dma_start3A, %dma_start3A_3] : memref<25x128xi32, #tpu.memory_space<vmem>> -> memref<1x128xi32, #tpu.memory_space<vmem>>
    %dma_start3A_5 = tpu.memref_squeeze %dma_start3A_4 : memref<1x128xi32, #tpu.memory_space<vmem>> -> memref<128xi32, #tpu.memory_space<vmem>>
    %dma_start3A_6 = arith.constant 0 : i32
    %dma_start3A_7 = arith.constant 0 : i32
    %dma_start3A_8 = tpu.memref_slice %arg2[%dma_start3A_6, %dma_start3A_7] : memref<100000x128xf32, #tpu.memory_space<hbm>> -> memref<100000x128xf32, #tpu.memory_space<hbm>>
    tpu.enqueue_indirect_dma source(%dma_start3A_8 : memref<100000x128xf32, #tpu.memory_space<hbm>>) target(%arg6 : memref<128x128xf32, #tpu.memory_space<vmem>>) offsets(%dma_start3A_5 : memref<128xi32, #tpu.memory_space<vmem>>) semaphore(%arg11 : memref<!tpu.dma_semaphore, #tpu.memory_space<semaphore_mem>>)
    %dma_start3A_9 = arith.constant 1 : i32
    %dma_start3A_10 = arith.constant 0 : i32
    %dma_start3A_11 = tpu.memref_slice %arg5[%dma_start3A_9, %dma_start3A_10] : memref<25x128xi32, #tpu.memory_space<vmem>> -> memref<1x128xi32, #tpu.memory_space<vmem>>
    %dma_start3A_12 = tpu.memref_squeeze %dma_start3A_11 : memref<1x128xi32, #tpu.memory_space<vmem>> -> memref<128xi32, #tpu.memory_space<vmem>>
    %dma_start3A_13 = arith.constant 0 : i32
    %dma_start3A_14 = arith.constant 0 : i32
    %dma_start3A_15 = tpu.memref_slice %arg2[%dma_start3A_13, %dma_start3A_14] : memref<100000x128xf32, #tpu.memory_space<hbm>> -> memref<100000x128xf32, #tpu.memory_space<hbm>>
    tpu.enqueue_indirect_dma source(%dma_start3A_15 : memref<100000x128xf32, #tpu.memory_space<hbm>>) target(%arg7 : memref<128x128xf32, #tpu.memory_space<vmem>>) offsets(%dma_start3A_12 : memref<128xi32, #tpu.memory_space<vmem>>) semaphore(%arg12 : memref<!tpu.dma_semaphore, #tpu.memory_space<semaphore_mem>>)
    %dma_start3A_16 = arith.constant 2 : i32
    %dma_start3A_17 = arith.constant 0 : i32
    %dma_start3A_18 = tpu.memref_slice %arg5[%dma_start3A_16, %dma_start3A_17] : memref<25x128xi32, #tpu.memory_space<vmem>> -> memref<1x128xi32, #tpu.memory_space<vmem>>
    %dma_start3A_19 = tpu.memref_squeeze %dma_start3A_18 : memref<1x128xi32, #tpu.memory_space<vmem>> -> memref<128xi32, #tpu.memory_space<vmem>>
    %dma_start3A_20 = arith.constant 0 : i32
    %dma_start3A_21 = arith.constant 0 : i32
    %dma_start3A_22 = tpu.memref_slice %arg2[%dma_start3A_20, %dma_start3A_21] : memref<100000x128xf32, #tpu.memory_space<hbm>> -> memref<100000x128xf32, #tpu.memory_space<hbm>>
    tpu.enqueue_indirect_dma source(%dma_start3A_22 : memref<100000x128xf32, #tpu.memory_space<hbm>>) target(%arg8 : memref<128x128xf32, #tpu.memory_space<vmem>>) offsets(%dma_start3A_19 : memref<128xi32, #tpu.memory_space<vmem>>) semaphore(%arg13 : memref<!tpu.dma_semaphore, #tpu.memory_space<semaphore_mem>>)
    %dma_start3A_23 = arith.constant 3 : i32
    %dma_start3A_24 = arith.constant 0 : i32
    %dma_start3A_25 = tpu.memref_slice %arg5[%dma_start3A_23, %dma_start3A_24] : memref<25x128xi32, #tpu.memory_space<vmem>> -> memref<1x128xi32, #tpu.memory_space<vmem>>
    %dma_start3A_26 = tpu.memref_squeeze %dma_start3A_25 : memref<1x128xi32, #tpu.memory_space<vmem>> -> memref<128xi32, #tpu.memory_space<vmem>>
    %dma_start3A_27 = arith.constant 0 : i32
    %dma_start3A_28 = arith.constant 0 : i32
    %dma_start3A_29 = tpu.memref_slice %arg2[%dma_start3A_27, %dma_start3A_28] : memref<100000x128xf32, #tpu.memory_space<hbm>> -> memref<100000x128xf32, #tpu.memory_space<hbm>>
    tpu.enqueue_indirect_dma source(%dma_start3A_29 : memref<100000x128xf32, #tpu.memory_space<hbm>>) target(%arg9 : memref<128x128xf32, #tpu.memory_space<vmem>>) offsets(%dma_start3A_26 : memref<128xi32, #tpu.memory_space<vmem>>) semaphore(%arg14 : memref<!tpu.dma_semaphore, #tpu.memory_space<semaphore_mem>>)
    %dma_start3A_30 = arith.constant 4 : i32
    %dma_start3A_31 = arith.constant 0 : i32
    %dma_start3A_32 = tpu.memref_slice %arg5[%dma_start3A_30, %dma_start3A_31] : memref<25x128xi32, #tpu.memory_space<vmem>> -> memref<1x128xi32, #tpu.memory_space<vmem>>
    %dma_start3A_33 = tpu.memref_squeeze %dma_start3A_32 : memref<1x128xi32, #tpu.memory_space<vmem>> -> memref<128xi32, #tpu.memory_space<vmem>>
    %dma_start3A_34 = arith.constant 0 : i32
    %dma_start3A_35 = arith.constant 0 : i32
    %dma_start3A_36 = tpu.memref_slice %arg2[%dma_start3A_34, %dma_start3A_35] : memref<100000x128xf32, #tpu.memory_space<hbm>> -> memref<100000x128xf32, #tpu.memory_space<hbm>>
    tpu.enqueue_indirect_dma source(%dma_start3A_36 : memref<100000x128xf32, #tpu.memory_space<hbm>>) target(%arg10 : memref<128x128xf32, #tpu.memory_space<vmem>>) offsets(%dma_start3A_33 : memref<128xi32, #tpu.memory_space<vmem>>) semaphore(%arg15 : memref<!tpu.dma_semaphore, #tpu.memory_space<semaphore_mem>>)
    %scan3A = arith.constant 0 : i32
    %scan3A_37 = arith.constant 0 : i32
    %scan3A_38 = arith.constant 5 : i32
    %scan3A_39 = arith.addi %scan3A_37, %scan3A_38 : i32
    %scan3A_40 = arith.constant 1 : i32
    scf.for %scan3A_61 = %scan3A_37 to %scan3A_39 step %scan3A_40  : i32 {
      %mul3A_62 = arith.constant 5 : i32
      %mul3A_63 = arith.muli %scan3A_61, %mul3A_62 : i32
      %add3A_64 = arith.constant 0 : i32
      %add3A_65 = arith.addi %mul3A_63, %add3A_64 : i32
      %dma_wait3A_66 = arith.constant 0 : i32
      %dma_wait3A_67 = tpu.memref_slice %arg5[%add3A_65, %dma_wait3A_66] : memref<25x128xi32, #tpu.memory_space<vmem>> -> memref<1x128xi32, #tpu.memory_space<vmem>>
      %dma_wait3A_68 = tpu.memref_squeeze %dma_wait3A_67 : memref<1x128xi32, #tpu.memory_space<vmem>> -> memref<128xi32, #tpu.memory_space<vmem>>
      %dma_wait3A_69 = arith.constant 0 : i32
      %dma_wait3A_70 = arith.constant 0 : i32
      %dma_wait3A_71 = tpu.memref_slice %arg2[%dma_wait3A_69, %dma_wait3A_70] : memref<100000x128xf32, #tpu.memory_space<hbm>> -> memref<100000x128xf32, #tpu.memory_space<hbm>>
      tpu.wait_indirect_dma semaphore(%arg11 : memref<!tpu.dma_semaphore, #tpu.memory_space<semaphore_mem>>) src(%dma_wait3A_71 : memref<100000x128xf32, #tpu.memory_space<hbm>>) dst(%arg6 : memref<128x128xf32, #tpu.memory_space<vmem>>)
      %mul3A_72 = arith.constant 128 : i32
      %mul3A_73 = arith.muli %add3A_65, %mul3A_72 : i32
      %add3A_74 = arith.addi %mul3A_2, %mul3A_73 : i32
      %dma_start3A_75 = arith.constant 0 : i32
      %dma_start3A_76 = tpu.memref_slice %arg4[%add3A_74, %dma_start3A_75] : memref<102400x128xf32, #tpu.memory_space<hbm>> -> memref<128x128xf32, #tpu.memory_space<hbm>>
      %dma_start3A_77 = arith.constant 0 : i32
      %dma_start3A_78 = tpu.memref_slice %arg4[%add3A_74, %dma_start3A_77] : memref<102400x128xf32, #tpu.memory_space<hbm>> -> memref<128x128xf32, #tpu.memory_space<hbm>>
      tpu.enqueue_dma source(%arg6 : memref<128x128xf32, #tpu.memory_space<vmem>>) target(%dma_start3A_78 : memref<128x128xf32, #tpu.memory_space<hbm>>) target_semaphore(%arg16 : memref<!tpu.dma_semaphore, #tpu.memory_space<semaphore_mem>>)
      %mul3A_79 = arith.constant 5 : i32
      %mul3A_80 = arith.muli %scan3A_61, %mul3A_79 : i32
      %add3A_81 = arith.constant 1 : i32
      %add3A_82 = arith.addi %mul3A_80, %add3A_81 : i32
      %dma_wait3A_83 = arith.constant 0 : i32
      %dma_wait3A_84 = tpu.memref_slice %arg5[%add3A_82, %dma_wait3A_83] : memref<25x128xi32, #tpu.memory_space<vmem>> -> memref<1x128xi32, #tpu.memory_space<vmem>>
      %dma_wait3A_85 = tpu.memref_squeeze %dma_wait3A_84 : memref<1x128xi32, #tpu.memory_space<vmem>> -> memref<128xi32, #tpu.memory_space<vmem>>
      %dma_wait3A_86 = arith.constant 0 : i32
      %dma_wait3A_87 = arith.constant 0 : i32
      %dma_wait3A_88 = tpu.memref_slice %arg2[%dma_wait3A_86, %dma_wait3A_87] : memref<100000x128xf32, #tpu.memory_space<hbm>> -> memref<100000x128xf32, #tpu.memory_space<hbm>>
      tpu.wait_indirect_dma semaphore(%arg12 : memref<!tpu.dma_semaphore, #tpu.memory_space<semaphore_mem>>) src(%dma_wait3A_88 : memref<100000x128xf32, #tpu.memory_space<hbm>>) dst(%arg7 : memref<128x128xf32, #tpu.memory_space<vmem>>)
      %mul3A_89 = arith.constant 128 : i32
      %mul3A_90 = arith.muli %add3A_82, %mul3A_89 : i32
      %add3A_91 = arith.addi %mul3A_2, %mul3A_90 : i32
      %dma_start3A_92 = arith.constant 0 : i32
      %dma_start3A_93 = tpu.memref_slice %arg4[%add3A_91, %dma_start3A_92] : memref<102400x128xf32, #tpu.memory_space<hbm>> -> memref<128x128xf32, #tpu.memory_space<hbm>>
      %dma_start3A_94 = arith.constant 0 : i32
      %dma_start3A_95 = tpu.memref_slice %arg4[%add3A_91, %dma_start3A_94] : memref<102400x128xf32, #tpu.memory_space<hbm>> -> memref<128x128xf32, #tpu.memory_space<hbm>>
      tpu.enqueue_dma source(%arg7 : memref<128x128xf32, #tpu.memory_space<vmem>>) target(%dma_start3A_95 : memref<128x128xf32, #tpu.memory_space<hbm>>) target_semaphore(%arg17 : memref<!tpu.dma_semaphore, #tpu.memory_space<semaphore_mem>>)
      %mul3A_96 = arith.constant 5 : i32
      %mul3A_97 = arith.muli %scan3A_61, %mul3A_96 : i32
      %add3A_98 = arith.constant 2 : i32
      %add3A_99 = arith.addi %mul3A_97, %add3A_98 : i32
      %dma_wait3A_100 = arith.constant 0 : i32
      %dma_wait3A_101 = tpu.memref_slice %arg5[%add3A_99, %dma_wait3A_100] : memref<25x128xi32, #tpu.memory_space<vmem>> -> memref<1x128xi32, #tpu.memory_space<vmem>>
      %dma_wait3A_102 = tpu.memref_squeeze %dma_wait3A_101 : memref<1x128xi32, #tpu.memory_space<vmem>> -> memref<128xi32, #tpu.memory_space<vmem>>
      %dma_wait3A_103 = arith.constant 0 : i32
      %dma_wait3A_104 = arith.constant 0 : i32
      %dma_wait3A_105 = tpu.memref_slice %arg2[%dma_wait3A_103, %dma_wait3A_104] : memref<100000x128xf32, #tpu.memory_space<hbm>> -> memref<100000x128xf32, #tpu.memory_space<hbm>>
      tpu.wait_indirect_dma semaphore(%arg13 : memref<!tpu.dma_semaphore, #tpu.memory_space<semaphore_mem>>) src(%dma_wait3A_105 : memref<100000x128xf32, #tpu.memory_space<hbm>>) dst(%arg8 : memref<128x128xf32, #tpu.memory_space<vmem>>)
      %mul3A_106 = arith.constant 128 : i32
      %mul3A_107 = arith.muli %add3A_99, %mul3A_106 : i32
      %add3A_108 = arith.addi %mul3A_2, %mul3A_107 : i32
      %dma_start3A_109 = arith.constant 0 : i32
      %dma_start3A_110 = tpu.memref_slice %arg4[%add3A_108, %dma_start3A_109] : memref<102400x128xf32, #tpu.memory_space<hbm>> -> memref<128x128xf32, #tpu.memory_space<hbm>>
      %dma_start3A_111 = arith.constant 0 : i32
      %dma_start3A_112 = tpu.memref_slice %arg4[%add3A_108, %dma_start3A_111] : memref<102400x128xf32, #tpu.memory_space<hbm>> -> memref<128x128xf32, #tpu.memory_space<hbm>>
      tpu.enqueue_dma source(%arg8 : memref<128x128xf32, #tpu.memory_space<vmem>>) target(%dma_start3A_112 : memref<128x128xf32, #tpu.memory_space<hbm>>) target_semaphore(%arg18 : memref<!tpu.dma_semaphore, #tpu.memory_space<semaphore_mem>>)
      %mul3A_113 = arith.constant 5 : i32
      %mul3A_114 = arith.muli %scan3A_61, %mul3A_113 : i32
      %add3A_115 = arith.constant 3 : i32
      %add3A_116 = arith.addi %mul3A_114, %add3A_115 : i32
      %dma_wait3A_117 = arith.constant 0 : i32
      %dma_wait3A_118 = tpu.memref_slice %arg5[%add3A_116, %dma_wait3A_117] : memref<25x128xi32, #tpu.memory_space<vmem>> -> memref<1x128xi32, #tpu.memory_space<vmem>>
      %dma_wait3A_119 = tpu.memref_squeeze %dma_wait3A_118 : memref<1x128xi32, #tpu.memory_space<vmem>> -> memref<128xi32, #tpu.memory_space<vmem>>
      %dma_wait3A_120 = arith.constant 0 : i32
      %dma_wait3A_121 = arith.constant 0 : i32
      %dma_wait3A_122 = tpu.memref_slice %arg2[%dma_wait3A_120, %dma_wait3A_121] : memref<100000x128xf32, #tpu.memory_space<hbm>> -> memref<100000x128xf32, #tpu.memory_space<hbm>>
      tpu.wait_indirect_dma semaphore(%arg14 : memref<!tpu.dma_semaphore, #tpu.memory_space<semaphore_mem>>) src(%dma_wait3A_122 : memref<100000x128xf32, #tpu.memory_space<hbm>>) dst(%arg9 : memref<128x128xf32, #tpu.memory_space<vmem>>)
      %mul3A_123 = arith.constant 128 : i32
      %mul3A_124 = arith.muli %add3A_116, %mul3A_123 : i32
      %add3A_125 = arith.addi %mul3A_2, %mul3A_124 : i32
      %dma_start3A_126 = arith.constant 0 : i32
      %dma_start3A_127 = tpu.memref_slice %arg4[%add3A_125, %dma_start3A_126] : memref<102400x128xf32, #tpu.memory_space<hbm>> -> memref<128x128xf32, #tpu.memory_space<hbm>>
      %dma_start3A_128 = arith.constant 0 : i32
      %dma_start3A_129 = tpu.memref_slice %arg4[%add3A_125, %dma_start3A_128] : memref<102400x128xf32, #tpu.memory_space<hbm>> -> memref<128x128xf32, #tpu.memory_space<hbm>>
      tpu.enqueue_dma source(%arg9 : memref<128x128xf32, #tpu.memory_space<vmem>>) target(%dma_start3A_129 : memref<128x128xf32, #tpu.memory_space<hbm>>) target_semaphore(%arg19 : memref<!tpu.dma_semaphore, #tpu.memory_space<semaphore_mem>>)
      %mul3A_130 = arith.constant 5 : i32
      %mul3A_131 = arith.muli %scan3A_61, %mul3A_130 : i32
      %add3A_132 = arith.constant 4 : i32
      %add3A_133 = arith.addi %mul3A_131, %add3A_132 : i32
      %dma_wait3A_134 = arith.constant 0 : i32
      %dma_wait3A_135 = tpu.memref_slice %arg5[%add3A_133, %dma_wait3A_134] : memref<25x128xi32, #tpu.memory_space<vmem>> -> memref<1x128xi32, #tpu.memory_space<vmem>>
      %dma_wait3A_136 = tpu.memref_squeeze %dma_wait3A_135 : memref<1x128xi32, #tpu.memory_space<vmem>> -> memref<128xi32, #tpu.memory_space<vmem>>
      %dma_wait3A_137 = arith.constant 0 : i32
      %dma_wait3A_138 = arith.constant 0 : i32
      %dma_wait3A_139 = tpu.memref_slice %arg2[%dma_wait3A_137, %dma_wait3A_138] : memref<100000x128xf32, #tpu.memory_space<hbm>> -> memref<100000x128xf32, #tpu.memory_space<hbm>>
      tpu.wait_indirect_dma semaphore(%arg15 : memref<!tpu.dma_semaphore, #tpu.memory_space<semaphore_mem>>) src(%dma_wait3A_139 : memref<100000x128xf32, #tpu.memory_space<hbm>>) dst(%arg10 : memref<128x128xf32, #tpu.memory_space<vmem>>)
      %mul3A_140 = arith.constant 128 : i32
      %mul3A_141 = arith.muli %add3A_133, %mul3A_140 : i32
      %add3A_142 = arith.addi %mul3A_2, %mul3A_141 : i32
      %dma_start3A_143 = arith.constant 0 : i32
      %dma_start3A_144 = tpu.memref_slice %arg4[%add3A_142, %dma_start3A_143] : memref<102400x128xf32, #tpu.memory_space<hbm>> -> memref<128x128xf32, #tpu.memory_space<hbm>>
      %dma_start3A_145 = arith.constant 0 : i32
      %dma_start3A_146 = tpu.memref_slice %arg4[%add3A_142, %dma_start3A_145] : memref<102400x128xf32, #tpu.memory_space<hbm>> -> memref<128x128xf32, #tpu.memory_space<hbm>>
      tpu.enqueue_dma source(%arg10 : memref<128x128xf32, #tpu.memory_space<vmem>>) target(%dma_start3A_146 : memref<128x128xf32, #tpu.memory_space<hbm>>) target_semaphore(%arg20 : memref<!tpu.dma_semaphore, #tpu.memory_space<semaphore_mem>>)
      %add3A_147 = arith.constant 1 : i32
      %add3A_148 = arith.addi %scan3A_61, %add3A_147 : i32
      %lt3A = arith.constant 5 : i32
      %lt3A_149 = arith.cmpi slt, %add3A_148, %lt3A : i32
      %convert_element_type3A = arith.extui %lt3A_149 : i1 to i32
      %cond3A = arith.constant 0 : i32
      %cond3A_150 = arith.cmpi ne, %convert_element_type3A, %cond3A : i32
      scf.if %cond3A_150 {
        %add3A_179 = arith.constant 1 : i32
        %add3A_180 = arith.addi %scan3A_61, %add3A_179 : i32
        %mul3A_181 = arith.constant 5 : i32
        %mul3A_182 = arith.muli %add3A_180, %mul3A_181 : i32
        %add3A_183 = arith.constant 0 : i32
        %add3A_184 = arith.addi %mul3A_182, %add3A_183 : i32
        %dma_wait3A_185 = arith.constant 0 : i32
        %dma_wait3A_186 = tpu.memref_slice %arg4[%mul3A_2, %dma_wait3A_185] : memref<102400x128xf32, #tpu.memory_space<hbm>> -> memref<128x128xf32, #tpu.memory_space<hbm>>
        %dma_wait3A_187 = arith.constant 0 : i32
        %dma_wait3A_188 = tpu.memref_slice %arg4[%mul3A_2, %dma_wait3A_187] : memref<102400x128xf32, #tpu.memory_space<hbm>> -> memref<128x128xf32, #tpu.memory_space<hbm>>
        tpu.wait_dma2 semaphore(%arg16 : memref<!tpu.dma_semaphore, #tpu.memory_space<semaphore_mem>>) src(%arg6 : memref<128x128xf32, #tpu.memory_space<vmem>>) dst(%dma_wait3A_188 : memref<128x128xf32, #tpu.memory_space<hbm>>)
        %dma_start3A_189 = arith.constant 0 : i32
        %dma_start3A_190 = tpu.memref_slice %arg5[%add3A_184, %dma_start3A_189] : memref<25x128xi32, #tpu.memory_space<vmem>> -> memref<1x128xi32, #tpu.memory_space<vmem>>
        %dma_start3A_191 = tpu.memref_squeeze %dma_start3A_190 : memref<1x128xi32, #tpu.memory_space<vmem>> -> memref<128xi32, #tpu.memory_space<vmem>>
        %dma_start3A_192 = arith.constant 0 : i32
        %dma_start3A_193 = arith.constant 0 : i32
        %dma_start3A_194 = tpu.memref_slice %arg2[%dma_start3A_192, %dma_start3A_193] : memref<100000x128xf32, #tpu.memory_space<hbm>> -> memref<100000x128xf32, #tpu.memory_space<hbm>>
        tpu.enqueue_indirect_dma source(%dma_start3A_194 : memref<100000x128xf32, #tpu.memory_space<hbm>>) target(%arg6 : memref<128x128xf32, #tpu.memory_space<vmem>>) offsets(%dma_start3A_191 : memref<128xi32, #tpu.memory_space<vmem>>) semaphore(%arg11 : memref<!tpu.dma_semaphore, #tpu.memory_space<semaphore_mem>>)
      } else {
      }
      %add3A_151 = arith.constant 1 : i32
      %add3A_152 = arith.addi %scan3A_61, %add3A_151 : i32
      %lt3A_153 = arith.constant 5 : i32
      %lt3A_154 = arith.cmpi slt, %add3A_152, %lt3A_153 : i32
      %convert_element_type3A_155 = arith.extui %lt3A_154 : i1 to i32
      %cond3A_156 = arith.constant 0 : i32
      %cond3A_157 = arith.cmpi ne, %convert_element_type3A_155, %cond3A_156 : i32
      scf.if %cond3A_157 {
        %add3A_179 = arith.constant 1 : i32
        %add3A_180 = arith.addi %scan3A_61, %add3A_179 : i32
        %mul3A_181 = arith.constant 5 : i32
        %mul3A_182 = arith.muli %add3A_180, %mul3A_181 : i32
        %add3A_183 = arith.constant 1 : i32
        %add3A_184 = arith.addi %mul3A_182, %add3A_183 : i32
        %dma_wait3A_185 = arith.constant 0 : i32
        %dma_wait3A_186 = tpu.memref_slice %arg4[%mul3A_2, %dma_wait3A_185] : memref<102400x128xf32, #tpu.memory_space<hbm>> -> memref<128x128xf32, #tpu.memory_space<hbm>>
        %dma_wait3A_187 = arith.constant 0 : i32
        %dma_wait3A_188 = tpu.memref_slice %arg4[%mul3A_2, %dma_wait3A_187] : memref<102400x128xf32, #tpu.memory_space<hbm>> -> memref<128x128xf32, #tpu.memory_space<hbm>>
        tpu.wait_dma2 semaphore(%arg17 : memref<!tpu.dma_semaphore, #tpu.memory_space<semaphore_mem>>) src(%arg7 : memref<128x128xf32, #tpu.memory_space<vmem>>) dst(%dma_wait3A_188 : memref<128x128xf32, #tpu.memory_space<hbm>>)
        %dma_start3A_189 = arith.constant 0 : i32
        %dma_start3A_190 = tpu.memref_slice %arg5[%add3A_184, %dma_start3A_189] : memref<25x128xi32, #tpu.memory_space<vmem>> -> memref<1x128xi32, #tpu.memory_space<vmem>>
        %dma_start3A_191 = tpu.memref_squeeze %dma_start3A_190 : memref<1x128xi32, #tpu.memory_space<vmem>> -> memref<128xi32, #tpu.memory_space<vmem>>
        %dma_start3A_192 = arith.constant 0 : i32
        %dma_start3A_193 = arith.constant 0 : i32
        %dma_start3A_194 = tpu.memref_slice %arg2[%dma_start3A_192, %dma_start3A_193] : memref<100000x128xf32, #tpu.memory_space<hbm>> -> memref<100000x128xf32, #tpu.memory_space<hbm>>
        tpu.enqueue_indirect_dma source(%dma_start3A_194 : memref<100000x128xf32, #tpu.memory_space<hbm>>) target(%arg7 : memref<128x128xf32, #tpu.memory_space<vmem>>) offsets(%dma_start3A_191 : memref<128xi32, #tpu.memory_space<vmem>>) semaphore(%arg12 : memref<!tpu.dma_semaphore, #tpu.memory_space<semaphore_mem>>)
      } else {
      }
      %add3A_158 = arith.constant 1 : i32
      %add3A_159 = arith.addi %scan3A_61, %add3A_158 : i32
      %lt3A_160 = arith.constant 5 : i32
      %lt3A_161 = arith.cmpi slt, %add3A_159, %lt3A_160 : i32
      %convert_element_type3A_162 = arith.extui %lt3A_161 : i1 to i32
      %cond3A_163 = arith.constant 0 : i32
      %cond3A_164 = arith.cmpi ne, %convert_element_type3A_162, %cond3A_163 : i32
      scf.if %cond3A_164 {
        %add3A_179 = arith.constant 1 : i32
        %add3A_180 = arith.addi %scan3A_61, %add3A_179 : i32
        %mul3A_181 = arith.constant 5 : i32
        %mul3A_182 = arith.muli %add3A_180, %mul3A_181 : i32
        %add3A_183 = arith.constant 2 : i32
        %add3A_184 = arith.addi %mul3A_182, %add3A_183 : i32
        %dma_wait3A_185 = arith.constant 0 : i32
        %dma_wait3A_186 = tpu.memref_slice %arg4[%mul3A_2, %dma_wait3A_185] : memref<102400x128xf32, #tpu.memory_space<hbm>> -> memref<128x128xf32, #tpu.memory_space<hbm>>
        %dma_wait3A_187 = arith.constant 0 : i32
        %dma_wait3A_188 = tpu.memref_slice %arg4[%mul3A_2, %dma_wait3A_187] : memref<102400x128xf32, #tpu.memory_space<hbm>> -> memref<128x128xf32, #tpu.memory_space<hbm>>
        tpu.wait_dma2 semaphore(%arg18 : memref<!tpu.dma_semaphore, #tpu.memory_space<semaphore_mem>>) src(%arg8 : memref<128x128xf32, #tpu.memory_space<vmem>>) dst(%dma_wait3A_188 : memref<128x128xf32, #tpu.memory_space<hbm>>)
        %dma_start3A_189 = arith.constant 0 : i32
        %dma_start3A_190 = tpu.memref_slice %arg5[%add3A_184, %dma_start3A_189] : memref<25x128xi32, #tpu.memory_space<vmem>> -> memref<1x128xi32, #tpu.memory_space<vmem>>
        %dma_start3A_191 = tpu.memref_squeeze %dma_start3A_190 : memref<1x128xi32, #tpu.memory_space<vmem>> -> memref<128xi32, #tpu.memory_space<vmem>>
        %dma_start3A_192 = arith.constant 0 : i32
        %dma_start3A_193 = arith.constant 0 : i32
        %dma_start3A_194 = tpu.memref_slice %arg2[%dma_start3A_192, %dma_start3A_193] : memref<100000x128xf32, #tpu.memory_space<hbm>> -> memref<100000x128xf32, #tpu.memory_space<hbm>>
        tpu.enqueue_indirect_dma source(%dma_start3A_194 : memref<100000x128xf32, #tpu.memory_space<hbm>>) target(%arg8 : memref<128x128xf32, #tpu.memory_space<vmem>>) offsets(%dma_start3A_191 : memref<128xi32, #tpu.memory_space<vmem>>) semaphore(%arg13 : memref<!tpu.dma_semaphore, #tpu.memory_space<semaphore_mem>>)
      } else {
      }
      %add3A_165 = arith.constant 1 : i32
      %add3A_166 = arith.addi %scan3A_61, %add3A_165 : i32
      %lt3A_167 = arith.constant 5 : i32
      %lt3A_168 = arith.cmpi slt, %add3A_166, %lt3A_167 : i32
      %convert_element_type3A_169 = arith.extui %lt3A_168 : i1 to i32
      %cond3A_170 = arith.constant 0 : i32
      %cond3A_171 = arith.cmpi ne, %convert_element_type3A_169, %cond3A_170 : i32
      scf.if %cond3A_171 {
        %add3A_179 = arith.constant 1 : i32
        %add3A_180 = arith.addi %scan3A_61, %add3A_179 : i32
        %mul3A_181 = arith.constant 5 : i32
        %mul3A_182 = arith.muli %add3A_180, %mul3A_181 : i32
        %add3A_183 = arith.constant 3 : i32
        %add3A_184 = arith.addi %mul3A_182, %add3A_183 : i32
        %dma_wait3A_185 = arith.constant 0 : i32
        %dma_wait3A_186 = tpu.memref_slice %arg4[%mul3A_2, %dma_wait3A_185] : memref<102400x128xf32, #tpu.memory_space<hbm>> -> memref<128x128xf32, #tpu.memory_space<hbm>>
        %dma_wait3A_187 = arith.constant 0 : i32
        %dma_wait3A_188 = tpu.memref_slice %arg4[%mul3A_2, %dma_wait3A_187] : memref<102400x128xf32, #tpu.memory_space<hbm>> -> memref<128x128xf32, #tpu.memory_space<hbm>>
        tpu.wait_dma2 semaphore(%arg19 : memref<!tpu.dma_semaphore, #tpu.memory_space<semaphore_mem>>) src(%arg9 : memref<128x128xf32, #tpu.memory_space<vmem>>) dst(%dma_wait3A_188 : memref<128x128xf32, #tpu.memory_space<hbm>>)
        %dma_start3A_189 = arith.constant 0 : i32
        %dma_start3A_190 = tpu.memref_slice %arg5[%add3A_184, %dma_start3A_189] : memref<25x128xi32, #tpu.memory_space<vmem>> -> memref<1x128xi32, #tpu.memory_space<vmem>>
        %dma_start3A_191 = tpu.memref_squeeze %dma_start3A_190 : memref<1x128xi32, #tpu.memory_space<vmem>> -> memref<128xi32, #tpu.memory_space<vmem>>
        %dma_start3A_192 = arith.constant 0 : i32
        %dma_start3A_193 = arith.constant 0 : i32
        %dma_start3A_194 = tpu.memref_slice %arg2[%dma_start3A_192, %dma_start3A_193] : memref<100000x128xf32, #tpu.memory_space<hbm>> -> memref<100000x128xf32, #tpu.memory_space<hbm>>
        tpu.enqueue_indirect_dma source(%dma_start3A_194 : memref<100000x128xf32, #tpu.memory_space<hbm>>) target(%arg9 : memref<128x128xf32, #tpu.memory_space<vmem>>) offsets(%dma_start3A_191 : memref<128xi32, #tpu.memory_space<vmem>>) semaphore(%arg14 : memref<!tpu.dma_semaphore, #tpu.memory_space<semaphore_mem>>)
      } else {
      }
      %add3A_172 = arith.constant 1 : i32
      %add3A_173 = arith.addi %scan3A_61, %add3A_172 : i32
      %lt3A_174 = arith.constant 5 : i32
      %lt3A_175 = arith.cmpi slt, %add3A_173, %lt3A_174 : i32
      %convert_element_type3A_176 = arith.extui %lt3A_175 : i1 to i32
      %cond3A_177 = arith.constant 0 : i32
      %cond3A_178 = arith.cmpi ne, %convert_element_type3A_176, %cond3A_177 : i32
      scf.if %cond3A_178 {
        %add3A_179 = arith.constant 1 : i32
        %add3A_180 = arith.addi %scan3A_61, %add3A_179 : i32
        %mul3A_181 = arith.constant 5 : i32
        %mul3A_182 = arith.muli %add3A_180, %mul3A_181 : i32
        %add3A_183 = arith.constant 4 : i32
        %add3A_184 = arith.addi %mul3A_182, %add3A_183 : i32
        %dma_wait3A_185 = arith.constant 0 : i32
        %dma_wait3A_186 = tpu.memref_slice %arg4[%mul3A_2, %dma_wait3A_185] : memref<102400x128xf32, #tpu.memory_space<hbm>> -> memref<128x128xf32, #tpu.memory_space<hbm>>
        %dma_wait3A_187 = arith.constant 0 : i32
        %dma_wait3A_188 = tpu.memref_slice %arg4[%mul3A_2, %dma_wait3A_187] : memref<102400x128xf32, #tpu.memory_space<hbm>> -> memref<128x128xf32, #tpu.memory_space<hbm>>
        tpu.wait_dma2 semaphore(%arg20 : memref<!tpu.dma_semaphore, #tpu.memory_space<semaphore_mem>>) src(%arg10 : memref<128x128xf32, #tpu.memory_space<vmem>>) dst(%dma_wait3A_188 : memref<128x128xf32, #tpu.memory_space<hbm>>)
        %dma_start3A_189 = arith.constant 0 : i32
        %dma_start3A_190 = tpu.memref_slice %arg5[%add3A_184, %dma_start3A_189] : memref<25x128xi32, #tpu.memory_space<vmem>> -> memref<1x128xi32, #tpu.memory_space<vmem>>
        %dma_start3A_191 = tpu.memref_squeeze %dma_start3A_190 : memref<1x128xi32, #tpu.memory_space<vmem>> -> memref<128xi32, #tpu.memory_space<vmem>>
        %dma_start3A_192 = arith.constant 0 : i32
        %dma_start3A_193 = arith.constant 0 : i32
        %dma_start3A_194 = tpu.memref_slice %arg2[%dma_start3A_192, %dma_start3A_193] : memref<100000x128xf32, #tpu.memory_space<hbm>> -> memref<100000x128xf32, #tpu.memory_space<hbm>>
        tpu.enqueue_indirect_dma source(%dma_start3A_194 : memref<100000x128xf32, #tpu.memory_space<hbm>>) target(%arg10 : memref<128x128xf32, #tpu.memory_space<vmem>>) offsets(%dma_start3A_191 : memref<128xi32, #tpu.memory_space<vmem>>) semaphore(%arg15 : memref<!tpu.dma_semaphore, #tpu.memory_space<semaphore_mem>>)
      } else {
      }
    }
    %scan3A_41 = arith.constant 5 : i32
    %dma_wait3A = arith.constant 0 : i32
    %dma_wait3A_42 = tpu.memref_slice %arg4[%mul3A_2, %dma_wait3A] : memref<102400x128xf32, #tpu.memory_space<hbm>> -> memref<128x128xf32, #tpu.memory_space<hbm>>
    %dma_wait3A_43 = arith.constant 0 : i32
    %dma_wait3A_44 = tpu.memref_slice %arg4[%mul3A_2, %dma_wait3A_43] : memref<102400x128xf32, #tpu.memory_space<hbm>> -> memref<128x128xf32, #tpu.memory_space<hbm>>
    tpu.wait_dma2 semaphore(%arg16 : memref<!tpu.dma_semaphore, #tpu.memory_space<semaphore_mem>>) src(%arg6 : memref<128x128xf32, #tpu.memory_space<vmem>>) dst(%dma_wait3A_44 : memref<128x128xf32, #tpu.memory_space<hbm>>)
    %dma_wait3A_45 = arith.constant 0 : i32
    %dma_wait3A_46 = tpu.memref_slice %arg4[%mul3A_2, %dma_wait3A_45] : memref<102400x128xf32, #tpu.memory_space<hbm>> -> memref<128x128xf32, #tpu.memory_space<hbm>>
    %dma_wait3A_47 = arith.constant 0 : i32
    %dma_wait3A_48 = tpu.memref_slice %arg4[%mul3A_2, %dma_wait3A_47] : memref<102400x128xf32, #tpu.memory_space<hbm>> -> memref<128x128xf32, #tpu.memory_space<hbm>>
    tpu.wait_dma2 semaphore(%arg17 : memref<!tpu.dma_semaphore, #tpu.memory_space<semaphore_mem>>) src(%arg7 : memref<128x128xf32, #tpu.memory_space<vmem>>) dst(%dma_wait3A_48 : memref<128x128xf32, #tpu.memory_space<hbm>>)
    %dma_wait3A_49 = arith.constant 0 : i32
    %dma_wait3A_50 = tpu.memref_slice %arg4[%mul3A_2, %dma_wait3A_49] : memref<102400x128xf32, #tpu.memory_space<hbm>> -> memref<128x128xf32, #tpu.memory_space<hbm>>
    %dma_wait3A_51 = arith.constant 0 : i32
    %dma_wait3A_52 = tpu.memref_slice %arg4[%mul3A_2, %dma_wait3A_51] : memref<102400x128xf32, #tpu.memory_space<hbm>> -> memref<128x128xf32, #tpu.memory_space<hbm>>
    tpu.wait_dma2 semaphore(%arg18 : memref<!tpu.dma_semaphore, #tpu.memory_space<semaphore_mem>>) src(%arg8 : memref<128x128xf32, #tpu.memory_space<vmem>>) dst(%dma_wait3A_52 : memref<128x128xf32, #tpu.memory_space<hbm>>)
    %dma_wait3A_53 = arith.constant 0 : i32
    %dma_wait3A_54 = tpu.memref_slice %arg4[%mul3A_2, %dma_wait3A_53] : memref<102400x128xf32, #tpu.memory_space<hbm>> -> memref<128x128xf32, #tpu.memory_space<hbm>>
    %dma_wait3A_55 = arith.constant 0 : i32
    %dma_wait3A_56 = tpu.memref_slice %arg4[%mul3A_2, %dma_wait3A_55] : memref<102400x128xf32, #tpu.memory_space<hbm>> -> memref<128x128xf32, #tpu.memory_space<hbm>>
    tpu.wait_dma2 semaphore(%arg19 : memref<!tpu.dma_semaphore, #tpu.memory_space<semaphore_mem>>) src(%arg9 : memref<128x128xf32, #tpu.memory_space<vmem>>) dst(%dma_wait3A_56 : memref<128x128xf32, #tpu.memory_space<hbm>>)
    %dma_wait3A_57 = arith.constant 0 : i32
    %dma_wait3A_58 = tpu.memref_slice %arg4[%mul3A_2, %dma_wait3A_57] : memref<102400x128xf32, #tpu.memory_space<hbm>> -> memref<128x128xf32, #tpu.memory_space<hbm>>
    %dma_wait3A_59 = arith.constant 0 : i32
    %dma_wait3A_60 = tpu.memref_slice %arg4[%mul3A_2, %dma_wait3A_59] : memref<102400x128xf32, #tpu.memory_space<hbm>> -> memref<128x128xf32, #tpu.memory_space<hbm>>
    tpu.wait_dma2 semaphore(%arg20 : memref<!tpu.dma_semaphore, #tpu.memory_space<semaphore_mem>>) src(%arg10 : memref<128x128xf32, #tpu.memory_space<vmem>>) dst(%dma_wait3A_60 : memref<128x128xf32, #tpu.memory_space<hbm>>)
    return
  }
}

#map = affine_map<(d0, d1) -> (0, 0)>
#map1 = affine_map<(d0, d1) -> (0, 0, 0)>
module attributes {stable_mosaic.version = 14 : i64} {
  func.func @_sc_gather(%arg0: i32, %arg1: i32, %arg2: memref<100000x128xf32, #tpu.memory_space<hbm>>, %arg3: memref<32x25x128xi32, #tpu.memory_space<hbm>>, %arg4: memref<102400x128xf32, #tpu.memory_space<hbm>>, %arg5: memref<25x128xi32, #tpu.memory_space<vmem>>, %arg6: memref<128x128xf32, #tpu.memory_space<vmem>>, %arg7: memref<128x128xf32, #tpu.memory_space<vmem>>, %arg8: memref<128x128xf32, #tpu.memory_space<vmem>>, %arg9: memref<128x128xf32, #tpu.memory_space<vmem>>, %arg10: memref<128x128xf32, #tpu.memory_space<vmem>>, %arg11: memref<!tpu.dma_semaphore, #tpu.memory_space<semaphore_mem>>, %arg12: memref<!tpu.dma_semaphore, #tpu.memory_space<semaphore_mem>>, %arg13: memref<!tpu.dma_semaphore, #tpu.memory_space<semaphore_mem>>, %arg14: memref<!tpu.dma_semaphore, #tpu.memory_space<semaphore_mem>>, %arg15: memref<!tpu.dma_semaphore, #tpu.memory_space<semaphore_mem>>, %arg16: memref<!tpu.dma_semaphore, #tpu.memory_space<semaphore_mem>>, %arg17: memref<!tpu.dma_semaphore, #tpu.memory_space<semaphore_mem>>, %arg18: memref<!tpu.dma_semaphore, #tpu.memory_space<semaphore_mem>>, %arg19: memref<!tpu.dma_semaphore, #tpu.memory_space<semaphore_mem>>, %arg20: memref<!tpu.dma_semaphore, #tpu.memory_space<semaphore_mem>>) attributes {dimension_semantics = [#tpu.dimension_semantics<core_parallel>, #tpu.dimension_semantics<subcore_parallel>], iteration_bounds = array<i64: 2, 16>, scalar_prefetch = 0 : i64, scratch_operands = 16 : i64, tpu.core_type = #tpu.core_type<sc_vector_subcore>, window_params = [{transform_indices = #map}, {transform_indices = #map1}, {transform_indices = #map}]} {
    %mul3A = arith.constant 2 : i32
    %mul3A_0 = arith.muli %arg1, %mul3A : i32
    %add3A = arith.addi %mul3A_0, %arg0 : i32
    "tpu.region"() ({
      %run_scoped3A = tpu.sem_alloc : memref<!tpu.dma_semaphore, #tpu.memory_space<semaphore_mem>>
      %dma_start3A_61 = arith.constant 0 : i32
      %dma_start3A_62 = arith.constant 0 : i32
      %dma_start3A_63 = tpu.memref_slice %arg3[%add3A, %dma_start3A_61, %dma_start3A_62] : memref<32x25x128xi32, #tpu.memory_space<hbm>> -> memref<1x25x128xi32, #tpu.memory_space<hbm>>
      %dma_start3A_64 = tpu.memref_squeeze %dma_start3A_63 : memref<1x25x128xi32, #tpu.memory_space<hbm>> -> memref<25x128xi32, #tpu.memory_space<hbm>>
      %dma_start3A_65 = arith.constant 0 : i32
      %dma_start3A_66 = arith.constant 0 : i32
      %dma_start3A_67 = tpu.memref_slice %arg3[%add3A, %dma_start3A_65, %dma_start3A_66] : memref<32x25x128xi32, #tpu.memory_space<hbm>> -> memref<1x25x128xi32, #tpu.memory_space<hbm>>
      %dma_start3A_68 = tpu.memref_squeeze %dma_start3A_67 : memref<1x25x128xi32, #tpu.memory_space<hbm>> -> memref<25x128xi32, #tpu.memory_space<hbm>>
      tpu.enqueue_dma source(%dma_start3A_68 : memref<25x128xi32, #tpu.memory_space<hbm>>) target(%arg5 : memref<25x128xi32, #tpu.memory_space<vmem>>) target_semaphore(%run_scoped3A : memref<!tpu.dma_semaphore, #tpu.memory_space<semaphore_mem>>)
      %dma_wait3A_69 = arith.constant 0 : i32
      %dma_wait3A_70 = arith.constant 0 : i32
      %dma_wait3A_71 = tpu.memref_slice %arg3[%add3A, %dma_wait3A_69, %dma_wait3A_70] : memref<32x25x128xi32, #tpu.memory_space<hbm>> -> memref<1x25x128xi32, #tpu.memory_space<hbm>>
      %dma_wait3A_72 = tpu.memref_squeeze %dma_wait3A_71 : memref<1x25x128xi32, #tpu.memory_space<hbm>> -> memref<25x128xi32, #tpu.memory_space<hbm>>
      %dma_wait3A_73 = arith.constant 0 : i32
      %dma_wait3A_74 = arith.constant 0 : i32
      %dma_wait3A_75 = tpu.memref_slice %arg3[%add3A, %dma_wait3A_73, %dma_wait3A_74] : memref<32x25x128xi32, #tpu.memory_space<hbm>> -> memref<1x25x128xi32, #tpu.memory_space<hbm>>
      %dma_wait3A_76 = tpu.memref_squeeze %dma_wait3A_75 : memref<1x25x128xi32, #tpu.memory_space<hbm>> -> memref<25x128xi32, #tpu.memory_space<hbm>>
      tpu.wait_dma2 semaphore(%run_scoped3A : memref<!tpu.dma_semaphore, #tpu.memory_space<semaphore_mem>>) src(%dma_wait3A_76 : memref<25x128xi32, #tpu.memory_space<hbm>>) dst(%arg5 : memref<25x128xi32, #tpu.memory_space<vmem>>)
      tpu.yield
    }) : () -> ()
    %mul3A_1 = arith.constant 3200 : i32
    %mul3A_2 = arith.muli %add3A, %mul3A_1 : i32
    %dma_start3A = arith.constant 0 : i32
    %dma_start3A_3 = arith.constant 0 : i32
    %dma_start3A_4 = tpu.memref_slice %arg5[%dma_start3A, %dma_start3A_3] : memref<25x128xi32, #tpu.memory_space<vmem>> -> memref<1x128xi32, #tpu.memory_space<vmem>>
    %dma_start3A_5 = tpu.memref_squeeze %dma_start3A_4 : memref<1x128xi32, #tpu.memory_space<vmem>> -> memref<128xi32, #tpu.memory_space<vmem>>
    %dma_start3A_6 = arith.constant 0 : i32
    %dma_start3A_7 = arith.constant 0 : i32
    %dma_start3A_8 = tpu.memref_slice %arg2[%dma_start3A_6, %dma_start3A_7] : memref<100000x128xf32, #tpu.memory_space<hbm>> -> memref<100000x128xf32, #tpu.memory_space<hbm>>
    tpu.enqueue_indirect_dma source(%dma_start3A_8 : memref<100000x128xf32, #tpu.memory_space<hbm>>) target(%arg6 : memref<128x128xf32, #tpu.memory_space<vmem>>) offsets(%dma_start3A_5 : memref<128xi32, #tpu.memory_space<vmem>>) semaphore(%arg11 : memref<!tpu.dma_semaphore, #tpu.memory_space<semaphore_mem>>)
    %dma_start3A_9 = arith.constant 1 : i32
    %dma_start3A_10 = arith.constant 0 : i32
    %dma_start3A_11 = tpu.memref_slice %arg5[%dma_start3A_9, %dma_start3A_10] : memref<25x128xi32, #tpu.memory_space<vmem>> -> memref<1x128xi32, #tpu.memory_space<vmem>>
    %dma_start3A_12 = tpu.memref_squeeze %dma_start3A_11 : memref<1x128xi32, #tpu.memory_space<vmem>> -> memref<128xi32, #tpu.memory_space<vmem>>
    %dma_start3A_13 = arith.constant 0 : i32
    %dma_start3A_14 = arith.constant 0 : i32
    %dma_start3A_15 = tpu.memref_slice %arg2[%dma_start3A_13, %dma_start3A_14] : memref<100000x128xf32, #tpu.memory_space<hbm>> -> memref<100000x128xf32, #tpu.memory_space<hbm>>
    tpu.enqueue_indirect_dma source(%dma_start3A_15 : memref<100000x128xf32, #tpu.memory_space<hbm>>) target(%arg7 : memref<128x128xf32, #tpu.memory_space<vmem>>) offsets(%dma_start3A_12 : memref<128xi32, #tpu.memory_space<vmem>>) semaphore(%arg12 : memref<!tpu.dma_semaphore, #tpu.memory_space<semaphore_mem>>)
    %dma_start3A_16 = arith.constant 2 : i32
    %dma_start3A_17 = arith.constant 0 : i32
    %dma_start3A_18 = tpu.memref_slice %arg5[%dma_start3A_16, %dma_start3A_17] : memref<25x128xi32, #tpu.memory_space<vmem>> -> memref<1x128xi32, #tpu.memory_space<vmem>>
    %dma_start3A_19 = tpu.memref_squeeze %dma_start3A_18 : memref<1x128xi32, #tpu.memory_space<vmem>> -> memref<128xi32, #tpu.memory_space<vmem>>
    %dma_start3A_20 = arith.constant 0 : i32
    %dma_start3A_21 = arith.constant 0 : i32
    %dma_start3A_22 = tpu.memref_slice %arg2[%dma_start3A_20, %dma_start3A_21] : memref<100000x128xf32, #tpu.memory_space<hbm>> -> memref<100000x128xf32, #tpu.memory_space<hbm>>
    tpu.enqueue_indirect_dma source(%dma_start3A_22 : memref<100000x128xf32, #tpu.memory_space<hbm>>) target(%arg8 : memref<128x128xf32, #tpu.memory_space<vmem>>) offsets(%dma_start3A_19 : memref<128xi32, #tpu.memory_space<vmem>>) semaphore(%arg13 : memref<!tpu.dma_semaphore, #tpu.memory_space<semaphore_mem>>)
    %dma_start3A_23 = arith.constant 3 : i32
    %dma_start3A_24 = arith.constant 0 : i32
    %dma_start3A_25 = tpu.memref_slice %arg5[%dma_start3A_23, %dma_start3A_24] : memref<25x128xi32, #tpu.memory_space<vmem>> -> memref<1x128xi32, #tpu.memory_space<vmem>>
    %dma_start3A_26 = tpu.memref_squeeze %dma_start3A_25 : memref<1x128xi32, #tpu.memory_space<vmem>> -> memref<128xi32, #tpu.memory_space<vmem>>
    %dma_start3A_27 = arith.constant 0 : i32
    %dma_start3A_28 = arith.constant 0 : i32
    %dma_start3A_29 = tpu.memref_slice %arg2[%dma_start3A_27, %dma_start3A_28] : memref<100000x128xf32, #tpu.memory_space<hbm>> -> memref<100000x128xf32, #tpu.memory_space<hbm>>
    tpu.enqueue_indirect_dma source(%dma_start3A_29 : memref<100000x128xf32, #tpu.memory_space<hbm>>) target(%arg9 : memref<128x128xf32, #tpu.memory_space<vmem>>) offsets(%dma_start3A_26 : memref<128xi32, #tpu.memory_space<vmem>>) semaphore(%arg14 : memref<!tpu.dma_semaphore, #tpu.memory_space<semaphore_mem>>)
    %dma_start3A_30 = arith.constant 4 : i32
    %dma_start3A_31 = arith.constant 0 : i32
    %dma_start3A_32 = tpu.memref_slice %arg5[%dma_start3A_30, %dma_start3A_31] : memref<25x128xi32, #tpu.memory_space<vmem>> -> memref<1x128xi32, #tpu.memory_space<vmem>>
    %dma_start3A_33 = tpu.memref_squeeze %dma_start3A_32 : memref<1x128xi32, #tpu.memory_space<vmem>> -> memref<128xi32, #tpu.memory_space<vmem>>
    %dma_start3A_34 = arith.constant 0 : i32
    %dma_start3A_35 = arith.constant 0 : i32
    %dma_start3A_36 = tpu.memref_slice %arg2[%dma_start3A_34, %dma_start3A_35] : memref<100000x128xf32, #tpu.memory_space<hbm>> -> memref<100000x128xf32, #tpu.memory_space<hbm>>
    tpu.enqueue_indirect_dma source(%dma_start3A_36 : memref<100000x128xf32, #tpu.memory_space<hbm>>) target(%arg10 : memref<128x128xf32, #tpu.memory_space<vmem>>) offsets(%dma_start3A_33 : memref<128xi32, #tpu.memory_space<vmem>>) semaphore(%arg15 : memref<!tpu.dma_semaphore, #tpu.memory_space<semaphore_mem>>)
    %scan3A = arith.constant 0 : i32
    %scan3A_37 = arith.constant 0 : i32
    %scan3A_38 = arith.constant 5 : i32
    %scan3A_39 = arith.addi %scan3A_37, %scan3A_38 : i32
    %scan3A_40 = arith.constant 1 : i32
    scf.for %scan3A_61 = %scan3A_37 to %scan3A_39 step %scan3A_40  : i32 {
      %mul3A_62 = arith.constant 5 : i32
      %mul3A_63 = arith.muli %scan3A_61, %mul3A_62 : i32
      %add3A_64 = arith.constant 0 : i32
      %add3A_65 = arith.addi %mul3A_63, %add3A_64 : i32
      %dma_wait3A_66 = arith.constant 0 : i32
      %dma_wait3A_67 = tpu.memref_slice %arg5[%add3A_65, %dma_wait3A_66] : memref<25x128xi32, #tpu.memory_space<vmem>> -> memref<1x128xi32, #tpu.memory_space<vmem>>
      %dma_wait3A_68 = tpu.memref_squeeze %dma_wait3A_67 : memref<1x128xi32, #tpu.memory_space<vmem>> -> memref<128xi32, #tpu.memory_space<vmem>>
      %dma_wait3A_69 = arith.constant 0 : i32
      %dma_wait3A_70 = arith.constant 0 : i32
      %dma_wait3A_71 = tpu.memref_slice %arg2[%dma_wait3A_69, %dma_wait3A_70] : memref<100000x128xf32, #tpu.memory_space<hbm>> -> memref<100000x128xf32, #tpu.memory_space<hbm>>
      tpu.wait_indirect_dma semaphore(%arg11 : memref<!tpu.dma_semaphore, #tpu.memory_space<semaphore_mem>>) src(%dma_wait3A_71 : memref<100000x128xf32, #tpu.memory_space<hbm>>) dst(%arg6 : memref<128x128xf32, #tpu.memory_space<vmem>>)
      %mul3A_72 = arith.constant 128 : i32
      %mul3A_73 = arith.muli %add3A_65, %mul3A_72 : i32
      %add3A_74 = arith.addi %mul3A_2, %mul3A_73 : i32
      %dma_start3A_75 = arith.constant 0 : i32
      %dma_start3A_76 = tpu.memref_slice %arg4[%add3A_74, %dma_start3A_75] : memref<102400x128xf32, #tpu.memory_space<hbm>> -> memref<128x128xf32, #tpu.memory_space<hbm>>
      %dma_start3A_77 = arith.constant 0 : i32
      %dma_start3A_78 = tpu.memref_slice %arg4[%add3A_74, %dma_start3A_77] : memref<102400x128xf32, #tpu.memory_space<hbm>> -> memref<128x128xf32, #tpu.memory_space<hbm>>
      tpu.enqueue_dma source(%arg6 : memref<128x128xf32, #tpu.memory_space<vmem>>) target(%dma_start3A_78 : memref<128x128xf32, #tpu.memory_space<hbm>>) target_semaphore(%arg16 : memref<!tpu.dma_semaphore, #tpu.memory_space<semaphore_mem>>)
      %mul3A_79 = arith.constant 5 : i32
      %mul3A_80 = arith.muli %scan3A_61, %mul3A_79 : i32
      %add3A_81 = arith.constant 1 : i32
      %add3A_82 = arith.addi %mul3A_80, %add3A_81 : i32
      %dma_wait3A_83 = arith.constant 0 : i32
      %dma_wait3A_84 = tpu.memref_slice %arg5[%add3A_82, %dma_wait3A_83] : memref<25x128xi32, #tpu.memory_space<vmem>> -> memref<1x128xi32, #tpu.memory_space<vmem>>
      %dma_wait3A_85 = tpu.memref_squeeze %dma_wait3A_84 : memref<1x128xi32, #tpu.memory_space<vmem>> -> memref<128xi32, #tpu.memory_space<vmem>>
      %dma_wait3A_86 = arith.constant 0 : i32
      %dma_wait3A_87 = arith.constant 0 : i32
      %dma_wait3A_88 = tpu.memref_slice %arg2[%dma_wait3A_86, %dma_wait3A_87] : memref<100000x128xf32, #tpu.memory_space<hbm>> -> memref<100000x128xf32, #tpu.memory_space<hbm>>
      tpu.wait_indirect_dma semaphore(%arg12 : memref<!tpu.dma_semaphore, #tpu.memory_space<semaphore_mem>>) src(%dma_wait3A_88 : memref<100000x128xf32, #tpu.memory_space<hbm>>) dst(%arg7 : memref<128x128xf32, #tpu.memory_space<vmem>>)
      %mul3A_89 = arith.constant 128 : i32
      %mul3A_90 = arith.muli %add3A_82, %mul3A_89 : i32
      %add3A_91 = arith.addi %mul3A_2, %mul3A_90 : i32
      %dma_start3A_92 = arith.constant 0 : i32
      %dma_start3A_93 = tpu.memref_slice %arg4[%add3A_91, %dma_start3A_92] : memref<102400x128xf32, #tpu.memory_space<hbm>> -> memref<128x128xf32, #tpu.memory_space<hbm>>
      %dma_start3A_94 = arith.constant 0 : i32
      %dma_start3A_95 = tpu.memref_slice %arg4[%add3A_91, %dma_start3A_94] : memref<102400x128xf32, #tpu.memory_space<hbm>> -> memref<128x128xf32, #tpu.memory_space<hbm>>
      tpu.enqueue_dma source(%arg7 : memref<128x128xf32, #tpu.memory_space<vmem>>) target(%dma_start3A_95 : memref<128x128xf32, #tpu.memory_space<hbm>>) target_semaphore(%arg17 : memref<!tpu.dma_semaphore, #tpu.memory_space<semaphore_mem>>)
      %mul3A_96 = arith.constant 5 : i32
      %mul3A_97 = arith.muli %scan3A_61, %mul3A_96 : i32
      %add3A_98 = arith.constant 2 : i32
      %add3A_99 = arith.addi %mul3A_97, %add3A_98 : i32
      %dma_wait3A_100 = arith.constant 0 : i32
      %dma_wait3A_101 = tpu.memref_slice %arg5[%add3A_99, %dma_wait3A_100] : memref<25x128xi32, #tpu.memory_space<vmem>> -> memref<1x128xi32, #tpu.memory_space<vmem>>
      %dma_wait3A_102 = tpu.memref_squeeze %dma_wait3A_101 : memref<1x128xi32, #tpu.memory_space<vmem>> -> memref<128xi32, #tpu.memory_space<vmem>>
      %dma_wait3A_103 = arith.constant 0 : i32
      %dma_wait3A_104 = arith.constant 0 : i32
      %dma_wait3A_105 = tpu.memref_slice %arg2[%dma_wait3A_103, %dma_wait3A_104] : memref<100000x128xf32, #tpu.memory_space<hbm>> -> memref<100000x128xf32, #tpu.memory_space<hbm>>
      tpu.wait_indirect_dma semaphore(%arg13 : memref<!tpu.dma_semaphore, #tpu.memory_space<semaphore_mem>>) src(%dma_wait3A_105 : memref<100000x128xf32, #tpu.memory_space<hbm>>) dst(%arg8 : memref<128x128xf32, #tpu.memory_space<vmem>>)
      %mul3A_106 = arith.constant 128 : i32
      %mul3A_107 = arith.muli %add3A_99, %mul3A_106 : i32
      %add3A_108 = arith.addi %mul3A_2, %mul3A_107 : i32
      %dma_start3A_109 = arith.constant 0 : i32
      %dma_start3A_110 = tpu.memref_slice %arg4[%add3A_108, %dma_start3A_109] : memref<102400x128xf32, #tpu.memory_space<hbm>> -> memref<128x128xf32, #tpu.memory_space<hbm>>
      %dma_start3A_111 = arith.constant 0 : i32
      %dma_start3A_112 = tpu.memref_slice %arg4[%add3A_108, %dma_start3A_111] : memref<102400x128xf32, #tpu.memory_space<hbm>> -> memref<128x128xf32, #tpu.memory_space<hbm>>
      tpu.enqueue_dma source(%arg8 : memref<128x128xf32, #tpu.memory_space<vmem>>) target(%dma_start3A_112 : memref<128x128xf32, #tpu.memory_space<hbm>>) target_semaphore(%arg18 : memref<!tpu.dma_semaphore, #tpu.memory_space<semaphore_mem>>)
      %mul3A_113 = arith.constant 5 : i32
      %mul3A_114 = arith.muli %scan3A_61, %mul3A_113 : i32
      %add3A_115 = arith.constant 3 : i32
      %add3A_116 = arith.addi %mul3A_114, %add3A_115 : i32
      %dma_wait3A_117 = arith.constant 0 : i32
      %dma_wait3A_118 = tpu.memref_slice %arg5[%add3A_116, %dma_wait3A_117] : memref<25x128xi32, #tpu.memory_space<vmem>> -> memref<1x128xi32, #tpu.memory_space<vmem>>
      %dma_wait3A_119 = tpu.memref_squeeze %dma_wait3A_118 : memref<1x128xi32, #tpu.memory_space<vmem>> -> memref<128xi32, #tpu.memory_space<vmem>>
      %dma_wait3A_120 = arith.constant 0 : i32
      %dma_wait3A_121 = arith.constant 0 : i32
      %dma_wait3A_122 = tpu.memref_slice %arg2[%dma_wait3A_120, %dma_wait3A_121] : memref<100000x128xf32, #tpu.memory_space<hbm>> -> memref<100000x128xf32, #tpu.memory_space<hbm>>
      tpu.wait_indirect_dma semaphore(%arg14 : memref<!tpu.dma_semaphore, #tpu.memory_space<semaphore_mem>>) src(%dma_wait3A_122 : memref<100000x128xf32, #tpu.memory_space<hbm>>) dst(%arg9 : memref<128x128xf32, #tpu.memory_space<vmem>>)
      %mul3A_123 = arith.constant 128 : i32
      %mul3A_124 = arith.muli %add3A_116, %mul3A_123 : i32
      %add3A_125 = arith.addi %mul3A_2, %mul3A_124 : i32
      %dma_start3A_126 = arith.constant 0 : i32
      %dma_start3A_127 = tpu.memref_slice %arg4[%add3A_125, %dma_start3A_126] : memref<102400x128xf32, #tpu.memory_space<hbm>> -> memref<128x128xf32, #tpu.memory_space<hbm>>
      %dma_start3A_128 = arith.constant 0 : i32
      %dma_start3A_129 = tpu.memref_slice %arg4[%add3A_125, %dma_start3A_128] : memref<102400x128xf32, #tpu.memory_space<hbm>> -> memref<128x128xf32, #tpu.memory_space<hbm>>
      tpu.enqueue_dma source(%arg9 : memref<128x128xf32, #tpu.memory_space<vmem>>) target(%dma_start3A_129 : memref<128x128xf32, #tpu.memory_space<hbm>>) target_semaphore(%arg19 : memref<!tpu.dma_semaphore, #tpu.memory_space<semaphore_mem>>)
      %mul3A_130 = arith.constant 5 : i32
      %mul3A_131 = arith.muli %scan3A_61, %mul3A_130 : i32
      %add3A_132 = arith.constant 4 : i32
      %add3A_133 = arith.addi %mul3A_131, %add3A_132 : i32
      %dma_wait3A_134 = arith.constant 0 : i32
      %dma_wait3A_135 = tpu.memref_slice %arg5[%add3A_133, %dma_wait3A_134] : memref<25x128xi32, #tpu.memory_space<vmem>> -> memref<1x128xi32, #tpu.memory_space<vmem>>
      %dma_wait3A_136 = tpu.memref_squeeze %dma_wait3A_135 : memref<1x128xi32, #tpu.memory_space<vmem>> -> memref<128xi32, #tpu.memory_space<vmem>>
      %dma_wait3A_137 = arith.constant 0 : i32
      %dma_wait3A_138 = arith.constant 0 : i32
      %dma_wait3A_139 = tpu.memref_slice %arg2[%dma_wait3A_137, %dma_wait3A_138] : memref<100000x128xf32, #tpu.memory_space<hbm>> -> memref<100000x128xf32, #tpu.memory_space<hbm>>
      tpu.wait_indirect_dma semaphore(%arg15 : memref<!tpu.dma_semaphore, #tpu.memory_space<semaphore_mem>>) src(%dma_wait3A_139 : memref<100000x128xf32, #tpu.memory_space<hbm>>) dst(%arg10 : memref<128x128xf32, #tpu.memory_space<vmem>>)
      %mul3A_140 = arith.constant 128 : i32
      %mul3A_141 = arith.muli %add3A_133, %mul3A_140 : i32
      %add3A_142 = arith.addi %mul3A_2, %mul3A_141 : i32
      %dma_start3A_143 = arith.constant 0 : i32
      %dma_start3A_144 = tpu.memref_slice %arg4[%add3A_142, %dma_start3A_143] : memref<102400x128xf32, #tpu.memory_space<hbm>> -> memref<128x128xf32, #tpu.memory_space<hbm>>
      %dma_start3A_145 = arith.constant 0 : i32
      %dma_start3A_146 = tpu.memref_slice %arg4[%add3A_142, %dma_start3A_145] : memref<102400x128xf32, #tpu.memory_space<hbm>> -> memref<128x128xf32, #tpu.memory_space<hbm>>
      tpu.enqueue_dma source(%arg10 : memref<128x128xf32, #tpu.memory_space<vmem>>) target(%dma_start3A_146 : memref<128x128xf32, #tpu.memory_space<hbm>>) target_semaphore(%arg20 : memref<!tpu.dma_semaphore, #tpu.memory_space<semaphore_mem>>)
      %add3A_147 = arith.constant 1 : i32
      %add3A_148 = arith.addi %scan3A_61, %add3A_147 : i32
      %lt3A = arith.constant 5 : i32
      %lt3A_149 = arith.cmpi slt, %add3A_148, %lt3A : i32
      %convert_element_type3A = arith.extui %lt3A_149 : i1 to i32
      %cond3A = arith.constant 0 : i32
      %cond3A_150 = arith.cmpi ne, %convert_element_type3A, %cond3A : i32
      scf.if %cond3A_150 {
        %add3A_179 = arith.constant 1 : i32
        %add3A_180 = arith.addi %scan3A_61, %add3A_179 : i32
        %mul3A_181 = arith.constant 5 : i32
        %mul3A_182 = arith.muli %add3A_180, %mul3A_181 : i32
        %add3A_183 = arith.constant 0 : i32
        %add3A_184 = arith.addi %mul3A_182, %add3A_183 : i32
        %dma_wait3A_185 = arith.constant 0 : i32
        %dma_wait3A_186 = tpu.memref_slice %arg4[%mul3A_2, %dma_wait3A_185] : memref<102400x128xf32, #tpu.memory_space<hbm>> -> memref<128x128xf32, #tpu.memory_space<hbm>>
        %dma_wait3A_187 = arith.constant 0 : i32
        %dma_wait3A_188 = tpu.memref_slice %arg4[%mul3A_2, %dma_wait3A_187] : memref<102400x128xf32, #tpu.memory_space<hbm>> -> memref<128x128xf32, #tpu.memory_space<hbm>>
        tpu.wait_dma2 semaphore(%arg16 : memref<!tpu.dma_semaphore, #tpu.memory_space<semaphore_mem>>) src(%arg6 : memref<128x128xf32, #tpu.memory_space<vmem>>) dst(%dma_wait3A_188 : memref<128x128xf32, #tpu.memory_space<hbm>>)
        %dma_start3A_189 = arith.constant 0 : i32
        %dma_start3A_190 = tpu.memref_slice %arg5[%add3A_184, %dma_start3A_189] : memref<25x128xi32, #tpu.memory_space<vmem>> -> memref<1x128xi32, #tpu.memory_space<vmem>>
        %dma_start3A_191 = tpu.memref_squeeze %dma_start3A_190 : memref<1x128xi32, #tpu.memory_space<vmem>> -> memref<128xi32, #tpu.memory_space<vmem>>
        %dma_start3A_192 = arith.constant 0 : i32
        %dma_start3A_193 = arith.constant 0 : i32
        %dma_start3A_194 = tpu.memref_slice %arg2[%dma_start3A_192, %dma_start3A_193] : memref<100000x128xf32, #tpu.memory_space<hbm>> -> memref<100000x128xf32, #tpu.memory_space<hbm>>
        tpu.enqueue_indirect_dma source(%dma_start3A_194 : memref<100000x128xf32, #tpu.memory_space<hbm>>) target(%arg6 : memref<128x128xf32, #tpu.memory_space<vmem>>) offsets(%dma_start3A_191 : memref<128xi32, #tpu.memory_space<vmem>>) semaphore(%arg11 : memref<!tpu.dma_semaphore, #tpu.memory_space<semaphore_mem>>)
      } else {
      }
      %add3A_151 = arith.constant 1 : i32
      %add3A_152 = arith.addi %scan3A_61, %add3A_151 : i32
      %lt3A_153 = arith.constant 5 : i32
      %lt3A_154 = arith.cmpi slt, %add3A_152, %lt3A_153 : i32
      %convert_element_type3A_155 = arith.extui %lt3A_154 : i1 to i32
      %cond3A_156 = arith.constant 0 : i32
      %cond3A_157 = arith.cmpi ne, %convert_element_type3A_155, %cond3A_156 : i32
      scf.if %cond3A_157 {
        %add3A_179 = arith.constant 1 : i32
        %add3A_180 = arith.addi %scan3A_61, %add3A_179 : i32
        %mul3A_181 = arith.constant 5 : i32
        %mul3A_182 = arith.muli %add3A_180, %mul3A_181 : i32
        %add3A_183 = arith.constant 1 : i32
        %add3A_184 = arith.addi %mul3A_182, %add3A_183 : i32
        %dma_wait3A_185 = arith.constant 0 : i32
        %dma_wait3A_186 = tpu.memref_slice %arg4[%mul3A_2, %dma_wait3A_185] : memref<102400x128xf32, #tpu.memory_space<hbm>> -> memref<128x128xf32, #tpu.memory_space<hbm>>
        %dma_wait3A_187 = arith.constant 0 : i32
        %dma_wait3A_188 = tpu.memref_slice %arg4[%mul3A_2, %dma_wait3A_187] : memref<102400x128xf32, #tpu.memory_space<hbm>> -> memref<128x128xf32, #tpu.memory_space<hbm>>
        tpu.wait_dma2 semaphore(%arg17 : memref<!tpu.dma_semaphore, #tpu.memory_space<semaphore_mem>>) src(%arg7 : memref<128x128xf32, #tpu.memory_space<vmem>>) dst(%dma_wait3A_188 : memref<128x128xf32, #tpu.memory_space<hbm>>)
        %dma_start3A_189 = arith.constant 0 : i32
        %dma_start3A_190 = tpu.memref_slice %arg5[%add3A_184, %dma_start3A_189] : memref<25x128xi32, #tpu.memory_space<vmem>> -> memref<1x128xi32, #tpu.memory_space<vmem>>
        %dma_start3A_191 = tpu.memref_squeeze %dma_start3A_190 : memref<1x128xi32, #tpu.memory_space<vmem>> -> memref<128xi32, #tpu.memory_space<vmem>>
        %dma_start3A_192 = arith.constant 0 : i32
        %dma_start3A_193 = arith.constant 0 : i32
        %dma_start3A_194 = tpu.memref_slice %arg2[%dma_start3A_192, %dma_start3A_193] : memref<100000x128xf32, #tpu.memory_space<hbm>> -> memref<100000x128xf32, #tpu.memory_space<hbm>>
        tpu.enqueue_indirect_dma source(%dma_start3A_194 : memref<100000x128xf32, #tpu.memory_space<hbm>>) target(%arg7 : memref<128x128xf32, #tpu.memory_space<vmem>>) offsets(%dma_start3A_191 : memref<128xi32, #tpu.memory_space<vmem>>) semaphore(%arg12 : memref<!tpu.dma_semaphore, #tpu.memory_space<semaphore_mem>>)
      } else {
      }
      %add3A_158 = arith.constant 1 : i32
      %add3A_159 = arith.addi %scan3A_61, %add3A_158 : i32
      %lt3A_160 = arith.constant 5 : i32
      %lt3A_161 = arith.cmpi slt, %add3A_159, %lt3A_160 : i32
      %convert_element_type3A_162 = arith.extui %lt3A_161 : i1 to i32
      %cond3A_163 = arith.constant 0 : i32
      %cond3A_164 = arith.cmpi ne, %convert_element_type3A_162, %cond3A_163 : i32
      scf.if %cond3A_164 {
        %add3A_179 = arith.constant 1 : i32
        %add3A_180 = arith.addi %scan3A_61, %add3A_179 : i32
        %mul3A_181 = arith.constant 5 : i32
        %mul3A_182 = arith.muli %add3A_180, %mul3A_181 : i32
        %add3A_183 = arith.constant 2 : i32
        %add3A_184 = arith.addi %mul3A_182, %add3A_183 : i32
        %dma_wait3A_185 = arith.constant 0 : i32
        %dma_wait3A_186 = tpu.memref_slice %arg4[%mul3A_2, %dma_wait3A_185] : memref<102400x128xf32, #tpu.memory_space<hbm>> -> memref<128x128xf32, #tpu.memory_space<hbm>>
        %dma_wait3A_187 = arith.constant 0 : i32
        %dma_wait3A_188 = tpu.memref_slice %arg4[%mul3A_2, %dma_wait3A_187] : memref<102400x128xf32, #tpu.memory_space<hbm>> -> memref<128x128xf32, #tpu.memory_space<hbm>>
        tpu.wait_dma2 semaphore(%arg18 : memref<!tpu.dma_semaphore, #tpu.memory_space<semaphore_mem>>) src(%arg8 : memref<128x128xf32, #tpu.memory_space<vmem>>) dst(%dma_wait3A_188 : memref<128x128xf32, #tpu.memory_space<hbm>>)
        %dma_start3A_189 = arith.constant 0 : i32
        %dma_start3A_190 = tpu.memref_slice %arg5[%add3A_184, %dma_start3A_189] : memref<25x128xi32, #tpu.memory_space<vmem>> -> memref<1x128xi32, #tpu.memory_space<vmem>>
        %dma_start3A_191 = tpu.memref_squeeze %dma_start3A_190 : memref<1x128xi32, #tpu.memory_space<vmem>> -> memref<128xi32, #tpu.memory_space<vmem>>
        %dma_start3A_192 = arith.constant 0 : i32
        %dma_start3A_193 = arith.constant 0 : i32
        %dma_start3A_194 = tpu.memref_slice %arg2[%dma_start3A_192, %dma_start3A_193] : memref<100000x128xf32, #tpu.memory_space<hbm>> -> memref<100000x128xf32, #tpu.memory_space<hbm>>
        tpu.enqueue_indirect_dma source(%dma_start3A_194 : memref<100000x128xf32, #tpu.memory_space<hbm>>) target(%arg8 : memref<128x128xf32, #tpu.memory_space<vmem>>) offsets(%dma_start3A_191 : memref<128xi32, #tpu.memory_space<vmem>>) semaphore(%arg13 : memref<!tpu.dma_semaphore, #tpu.memory_space<semaphore_mem>>)
      } else {
      }
      %add3A_165 = arith.constant 1 : i32
      %add3A_166 = arith.addi %scan3A_61, %add3A_165 : i32
      %lt3A_167 = arith.constant 5 : i32
      %lt3A_168 = arith.cmpi slt, %add3A_166, %lt3A_167 : i32
      %convert_element_type3A_169 = arith.extui %lt3A_168 : i1 to i32
      %cond3A_170 = arith.constant 0 : i32
      %cond3A_171 = arith.cmpi ne, %convert_element_type3A_169, %cond3A_170 : i32
      scf.if %cond3A_171 {
        %add3A_179 = arith.constant 1 : i32
        %add3A_180 = arith.addi %scan3A_61, %add3A_179 : i32
        %mul3A_181 = arith.constant 5 : i32
        %mul3A_182 = arith.muli %add3A_180, %mul3A_181 : i32
        %add3A_183 = arith.constant 3 : i32
        %add3A_184 = arith.addi %mul3A_182, %add3A_183 : i32
        %dma_wait3A_185 = arith.constant 0 : i32
        %dma_wait3A_186 = tpu.memref_slice %arg4[%mul3A_2, %dma_wait3A_185] : memref<102400x128xf32, #tpu.memory_space<hbm>> -> memref<128x128xf32, #tpu.memory_space<hbm>>
        %dma_wait3A_187 = arith.constant 0 : i32
        %dma_wait3A_188 = tpu.memref_slice %arg4[%mul3A_2, %dma_wait3A_187] : memref<102400x128xf32, #tpu.memory_space<hbm>> -> memref<128x128xf32, #tpu.memory_space<hbm>>
        tpu.wait_dma2 semaphore(%arg19 : memref<!tpu.dma_semaphore, #tpu.memory_space<semaphore_mem>>) src(%arg9 : memref<128x128xf32, #tpu.memory_space<vmem>>) dst(%dma_wait3A_188 : memref<128x128xf32, #tpu.memory_space<hbm>>)
        %dma_start3A_189 = arith.constant 0 : i32
        %dma_start3A_190 = tpu.memref_slice %arg5[%add3A_184, %dma_start3A_189] : memref<25x128xi32, #tpu.memory_space<vmem>> -> memref<1x128xi32, #tpu.memory_space<vmem>>
        %dma_start3A_191 = tpu.memref_squeeze %dma_start3A_190 : memref<1x128xi32, #tpu.memory_space<vmem>> -> memref<128xi32, #tpu.memory_space<vmem>>
        %dma_start3A_192 = arith.constant 0 : i32
        %dma_start3A_193 = arith.constant 0 : i32
        %dma_start3A_194 = tpu.memref_slice %arg2[%dma_start3A_192, %dma_start3A_193] : memref<100000x128xf32, #tpu.memory_space<hbm>> -> memref<100000x128xf32, #tpu.memory_space<hbm>>
        tpu.enqueue_indirect_dma source(%dma_start3A_194 : memref<100000x128xf32, #tpu.memory_space<hbm>>) target(%arg9 : memref<128x128xf32, #tpu.memory_space<vmem>>) offsets(%dma_start3A_191 : memref<128xi32, #tpu.memory_space<vmem>>) semaphore(%arg14 : memref<!tpu.dma_semaphore, #tpu.memory_space<semaphore_mem>>)
      } else {
      }
      %add3A_172 = arith.constant 1 : i32
      %add3A_173 = arith.addi %scan3A_61, %add3A_172 : i32
      %lt3A_174 = arith.constant 5 : i32
      %lt3A_175 = arith.cmpi slt, %add3A_173, %lt3A_174 : i32
      %convert_element_type3A_176 = arith.extui %lt3A_175 : i1 to i32
      %cond3A_177 = arith.constant 0 : i32
      %cond3A_178 = arith.cmpi ne, %convert_element_type3A_176, %cond3A_177 : i32
      scf.if %cond3A_178 {
        %add3A_179 = arith.constant 1 : i32
        %add3A_180 = arith.addi %scan3A_61, %add3A_179 : i32
        %mul3A_181 = arith.constant 5 : i32
        %mul3A_182 = arith.muli %add3A_180, %mul3A_181 : i32
        %add3A_183 = arith.constant 4 : i32
        %add3A_184 = arith.addi %mul3A_182, %add3A_183 : i32
        %dma_wait3A_185 = arith.constant 0 : i32
        %dma_wait3A_186 = tpu.memref_slice %arg4[%mul3A_2, %dma_wait3A_185] : memref<102400x128xf32, #tpu.memory_space<hbm>> -> memref<128x128xf32, #tpu.memory_space<hbm>>
        %dma_wait3A_187 = arith.constant 0 : i32
        %dma_wait3A_188 = tpu.memref_slice %arg4[%mul3A_2, %dma_wait3A_187] : memref<102400x128xf32, #tpu.memory_space<hbm>> -> memref<128x128xf32, #tpu.memory_space<hbm>>
        tpu.wait_dma2 semaphore(%arg20 : memref<!tpu.dma_semaphore, #tpu.memory_space<semaphore_mem>>) src(%arg10 : memref<128x128xf32, #tpu.memory_space<vmem>>) dst(%dma_wait3A_188 : memref<128x128xf32, #tpu.memory_space<hbm>>)
        %dma_start3A_189 = arith.constant 0 : i32
        %dma_start3A_190 = tpu.memref_slice %arg5[%add3A_184, %dma_start3A_189] : memref<25x128xi32, #tpu.memory_space<vmem>> -> memref<1x128xi32, #tpu.memory_space<vmem>>
        %dma_start3A_191 = tpu.memref_squeeze %dma_start3A_190 : memref<1x128xi32, #tpu.memory_space<vmem>> -> memref<128xi32, #tpu.memory_space<vmem>>
        %dma_start3A_192 = arith.constant 0 : i32
        %dma_start3A_193 = arith.constant 0 : i32
        %dma_start3A_194 = tpu.memref_slice %arg2[%dma_start3A_192, %dma_start3A_193] : memref<100000x128xf32, #tpu.memory_space<hbm>> -> memref<100000x128xf32, #tpu.memory_space<hbm>>
        tpu.enqueue_indirect_dma source(%dma_start3A_194 : memref<100000x128xf32, #tpu.memory_space<hbm>>) target(%arg10 : memref<128x128xf32, #tpu.memory_space<vmem>>) offsets(%dma_start3A_191 : memref<128xi32, #tpu.memory_space<vmem>>) semaphore(%arg15 : memref<!tpu.dma_semaphore, #tpu.memory_space<semaphore_mem>>)
      } else {
      }
    }
    %scan3A_41 = arith.constant 5 : i32
    %dma_wait3A = arith.constant 0 : i32
    %dma_wait3A_42 = tpu.memref_slice %arg4[%mul3A_2, %dma_wait3A] : memref<102400x128xf32, #tpu.memory_space<hbm>> -> memref<128x128xf32, #tpu.memory_space<hbm>>
    %dma_wait3A_43 = arith.constant 0 : i32
    %dma_wait3A_44 = tpu.memref_slice %arg4[%mul3A_2, %dma_wait3A_43] : memref<102400x128xf32, #tpu.memory_space<hbm>> -> memref<128x128xf32, #tpu.memory_space<hbm>>
    tpu.wait_dma2 semaphore(%arg16 : memref<!tpu.dma_semaphore, #tpu.memory_space<semaphore_mem>>) src(%arg6 : memref<128x128xf32, #tpu.memory_space<vmem>>) dst(%dma_wait3A_44 : memref<128x128xf32, #tpu.memory_space<hbm>>)
    %dma_wait3A_45 = arith.constant 0 : i32
    %dma_wait3A_46 = tpu.memref_slice %arg4[%mul3A_2, %dma_wait3A_45] : memref<102400x128xf32, #tpu.memory_space<hbm>> -> memref<128x128xf32, #tpu.memory_space<hbm>>
    %dma_wait3A_47 = arith.constant 0 : i32
    %dma_wait3A_48 = tpu.memref_slice %arg4[%mul3A_2, %dma_wait3A_47] : memref<102400x128xf32, #tpu.memory_space<hbm>> -> memref<128x128xf32, #tpu.memory_space<hbm>>
    tpu.wait_dma2 semaphore(%arg17 : memref<!tpu.dma_semaphore, #tpu.memory_space<semaphore_mem>>) src(%arg7 : memref<128x128xf32, #tpu.memory_space<vmem>>) dst(%dma_wait3A_48 : memref<128x128xf32, #tpu.memory_space<hbm>>)
    %dma_wait3A_49 = arith.constant 0 : i32
    %dma_wait3A_50 = tpu.memref_slice %arg4[%mul3A_2, %dma_wait3A_49] : memref<102400x128xf32, #tpu.memory_space<hbm>> -> memref<128x128xf32, #tpu.memory_space<hbm>>
    %dma_wait3A_51 = arith.constant 0 : i32
    %dma_wait3A_52 = tpu.memref_slice %arg4[%mul3A_2, %dma_wait3A_51] : memref<102400x128xf32, #tpu.memory_space<hbm>> -> memref<128x128xf32, #tpu.memory_space<hbm>>
    tpu.wait_dma2 semaphore(%arg18 : memref<!tpu.dma_semaphore, #tpu.memory_space<semaphore_mem>>) src(%arg8 : memref<128x128xf32, #tpu.memory_space<vmem>>) dst(%dma_wait3A_52 : memref<128x128xf32, #tpu.memory_space<hbm>>)
    %dma_wait3A_53 = arith.constant 0 : i32
    %dma_wait3A_54 = tpu.memref_slice %arg4[%mul3A_2, %dma_wait3A_53] : memref<102400x128xf32, #tpu.memory_space<hbm>> -> memref<128x128xf32, #tpu.memory_space<hbm>>
    %dma_wait3A_55 = arith.constant 0 : i32
    %dma_wait3A_56 = tpu.memref_slice %arg4[%mul3A_2, %dma_wait3A_55] : memref<102400x128xf32, #tpu.memory_space<hbm>> -> memref<128x128xf32, #tpu.memory_space<hbm>>
    tpu.wait_dma2 semaphore(%arg19 : memref<!tpu.dma_semaphore, #tpu.memory_space<semaphore_mem>>) src(%arg9 : memref<128x128xf32, #tpu.memory_space<vmem>>) dst(%dma_wait3A_56 : memref<128x128xf32, #tpu.memory_space<hbm>>)
    %dma_wait3A_57 = arith.constant 0 : i32
    %dma_wait3A_58 = tpu.memref_slice %arg4[%mul3A_2, %dma_wait3A_57] : memref<102400x128xf32, #tpu.memory_space<hbm>> -> memref<128x128xf32, #tpu.memory_space<hbm>>
    %dma_wait3A_59 = arith.constant 0 : i32
    %dma_wait3A_60 = tpu.memref_slice %arg4[%mul3A_2, %dma_wait3A_59] : memref<102400x128xf32, #tpu.memory_space<hbm>> -> memref<128x128xf32, #tpu.memory_space<hbm>>
    tpu.wait_dma2 semaphore(%arg20 : memref<!tpu.dma_semaphore, #tpu.memory_space<semaphore_mem>>) src(%arg10 : memref<128x128xf32, #tpu.memory_space<vmem>>) dst(%dma_wait3A_60 : memref<128x128xf32, #tpu.memory_space<hbm>>)
    return
  }
}

module attributes {stable_mosaic.version = 14 : i64} {
  func.func @_tc_body(%arg0: i32, %arg1: memref<2048x128xf32, #tpu.memory_space<vmem>>, %arg2: memref<8x2048xf32, #tpu.memory_space<vmem>>, %arg3: memref<2x64xf32, #tpu.memory_space<vmem>>, %arg4: memref<1x64xf32, #tpu.memory_space<vmem>>, %arg5: memref<192x128xf32, #tpu.memory_space<vmem>>, %arg6: memref<1x128xf32, #tpu.memory_space<vmem>>, %arg7: memref<32x128xf32, #tpu.memory_space<vmem>>, %arg8: memref<512x128xbf16, #tpu.memory_space<vmem>>, %arg9: memref<1x128xf32, #tpu.memory_space<vmem>>, %arg10: memref<1x128xf32, #tpu.memory_space<vmem>>, %arg11: memref<2048x128xf32, #tpu.memory_space<vmem>>) attributes {dimension_semantics = [#tpu.dimension_semantics<arbitrary>], iteration_bounds = array<i64: 50>, scalar_prefetch = 0 : i64, scratch_operands = 0 : i64, tpu.core_type = #tpu.core_type<tc>, window_params = [{transform_indices = @transform_0, window_bounds = array<i64: 2048, 128>}, {transform_indices = @transform_1, window_bounds = array<i64: 8, 2048>}, {pipeline_mode = #tpu.pipeline_mode<synchronous>, transform_indices = @transform_2, window_bounds = array<i64: 2, 64>}, {pipeline_mode = #tpu.pipeline_mode<synchronous>, transform_indices = @transform_3, window_bounds = array<i64: 1, 64>}, {pipeline_mode = #tpu.pipeline_mode<synchronous>, transform_indices = @transform_4, window_bounds = array<i64: 192, 128>}, {pipeline_mode = #tpu.pipeline_mode<synchronous>, transform_indices = @transform_5, window_bounds = array<i64: 1, 128>}, {pipeline_mode = #tpu.pipeline_mode<synchronous>, transform_indices = @transform_6, window_bounds = array<i64: 32, 128>}, {pipeline_mode = #tpu.pipeline_mode<synchronous>, transform_indices = @transform_7, window_bounds = array<i64: 512, 128>}, {pipeline_mode = #tpu.pipeline_mode<synchronous>, transform_indices = @transform_8, window_bounds = array<i64: 1, 128>}, {pipeline_mode = #tpu.pipeline_mode<synchronous>, transform_indices = @transform_9, window_bounds = array<i64: 1, 128>}, {transform_indices = @transform_10, window_bounds = array<i64: 2048, 128>}]} {
    %get3A = arith.constant 0 : index
    %get3A_0 = arith.constant 0 : index
    %get3A_1 = vector.load %arg2[%get3A, %get3A_0] : memref<8x2048xf32, #tpu.memory_space<vmem>>, vector<8x2048xf32>
    %slice3A = vector.extract_strided_slice %get3A_1 {offsets = [0, 0], sizes = [2, 2048], strides = [1, 1]} : vector<8x2048xf32> to vector<2x2048xf32>
    %convert_element_type3A = arith.truncf %slice3A : vector<2x2048xf32> to vector<2x2048xbf16>
    %convert_element_type3A_2 = arith.extf %convert_element_type3A : vector<2x2048xbf16> to vector<2x2048xf32>
    %sub3A = arith.subf %slice3A, %convert_element_type3A_2 : vector<2x2048xf32>
    %get3A_3 = arith.constant 0 : index
    %get3A_4 = arith.constant 0 : index
    %get3A_5 = vector.load %arg3[%get3A_3, %get3A_4] : memref<2x64xf32, #tpu.memory_space<vmem>>, vector<2x64xf32>
    %convert_element_type3A_6 = arith.truncf %get3A_5 : vector<2x64xf32> to vector<2x64xbf16>
    %convert_element_type3A_7 = arith.extf %convert_element_type3A_6 : vector<2x64xbf16> to vector<2x64xf32>
    %sub3A_8 = arith.subf %get3A_5, %convert_element_type3A_7 : vector<2x64xf32>
    %dot_general3A = arith.constant dense<0.000000e+00> : vector<2048x64xf32>
    %dot_general3A_9 = tpu.matmul %convert_element_type3A_2, %convert_element_type3A_7, %dot_general3A {dimension_numbers = #tpu.dot_dimension_numbers<[0], [0], [1], [1], [0, 1, 1, 1], [], []>, transpose_lhs_hint = false} : vector<2x2048xf32>, vector<2x64xf32>, vector<2048x64xf32> -> vector<2048x64xf32>
    %dot_general3A_10 = arith.constant dense<0.000000e+00> : vector<2048x64xf32>
    %dot_general3A_11 = tpu.matmul %sub3A, %convert_element_type3A_7, %dot_general3A_10 {dimension_numbers = #tpu.dot_dimension_numbers<[0], [0], [1], [1], [0, 1, 1, 1], [], []>, transpose_lhs_hint = false} : vector<2x2048xf32>, vector<2x64xf32>, vector<2048x64xf32> -> vector<2048x64xf32>
    %add3A = arith.addf %dot_general3A_9, %dot_general3A_11 : vector<2048x64xf32>
    %dot_general3A_12 = arith.constant dense<0.000000e+00> : vector<2048x64xf32>
    %dot_general3A_13 = tpu.matmul %convert_element_type3A_2, %sub3A_8, %dot_general3A_12 {dimension_numbers = #tpu.dot_dimension_numbers<[0], [0], [1], [1], [0, 1, 1, 1], [], []>, transpose_lhs_hint = false} : vector<2x2048xf32>, vector<2x64xf32>, vector<2048x64xf32> -> vector<2048x64xf32>
    %add3A_14 = arith.addf %add3A, %dot_general3A_13 : vector<2048x64xf32>
    %get3A_15 = arith.constant 0 : index
    %get3A_16 = arith.constant 0 : index
    %get3A_17 = vector.load %arg4[%get3A_15, %get3A_16] : memref<1x64xf32, #tpu.memory_space<vmem>>, vector<1x64xf32>
    %add3A_18 = vector.broadcast %get3A_17 : vector<1x64xf32> to vector<2048x64xf32>
    %add3A_19 = arith.addf %add3A_14, %add3A_18 : vector<2048x64xf32>
    %mul3A = arith.constant 0.159154937 : f32
    %mul3A_20 = vector.broadcast %mul3A : f32 to vector<2048x64xf32>
    %mul3A_21 = arith.mulf %add3A_19, %mul3A_20 : vector<2048x64xf32>
    %round3A = math.roundeven %mul3A_21 : vector<2048x64xf32>
    %mul3A_22 = arith.constant 6.28318548 : f32
    %mul3A_23 = vector.broadcast %mul3A_22 : f32 to vector<2048x64xf32>
    %mul3A_24 = arith.mulf %round3A, %mul3A_23 : vector<2048x64xf32>
    %sub3A_25 = arith.subf %add3A_19, %mul3A_24 : vector<2048x64xf32>
    %mul3A_26 = arith.mulf %sub3A_25, %sub3A_25 : vector<2048x64xf32>
    %mul3A_27 = arith.constant -2.50521079E-8 : f32
    %mul3A_28 = vector.broadcast %mul3A_27 : f32 to vector<2048x64xf32>
    %mul3A_29 = arith.mulf %mul3A_26, %mul3A_28 : vector<2048x64xf32>
    %add3A_30 = arith.constant 2.75573188E-6 : f32
    %add3A_31 = vector.broadcast %add3A_30 : f32 to vector<2048x64xf32>
    %add3A_32 = arith.addf %add3A_31, %mul3A_29 : vector<2048x64xf32>
    %mul3A_33 = arith.mulf %mul3A_26, %add3A_32 : vector<2048x64xf32>
    %add3A_34 = arith.constant -1.98412701E-4 : f32
    %add3A_35 = vector.broadcast %add3A_34 : f32 to vector<2048x64xf32>
    %add3A_36 = arith.addf %add3A_35, %mul3A_33 : vector<2048x64xf32>
    %mul3A_37 = arith.mulf %mul3A_26, %add3A_36 : vector<2048x64xf32>
    %add3A_38 = arith.constant 0.00833333377 : f32
    %add3A_39 = vector.broadcast %add3A_38 : f32 to vector<2048x64xf32>
    %add3A_40 = arith.addf %add3A_39, %mul3A_37 : vector<2048x64xf32>
    %mul3A_41 = arith.mulf %mul3A_26, %add3A_40 : vector<2048x64xf32>
    %add3A_42 = arith.constant -0.166666672 : f32
    %add3A_43 = vector.broadcast %add3A_42 : f32 to vector<2048x64xf32>
    %add3A_44 = arith.addf %add3A_43, %mul3A_41 : vector<2048x64xf32>
    %mul3A_45 = arith.mulf %sub3A_25, %mul3A_26 : vector<2048x64xf32>
    %mul3A_46 = arith.mulf %mul3A_45, %add3A_44 : vector<2048x64xf32>
    %add3A_47 = arith.addf %sub3A_25, %mul3A_46 : vector<2048x64xf32>
    %get3A_48 = arith.constant 0 : index
    %get3A_49 = arith.constant 0 : index
    %get3A_50 = vector.load %arg5[%get3A_48, %get3A_49] : memref<192x128xf32, #tpu.memory_space<vmem>>, vector<192x128xf32>
    %get3A_51 = arith.constant 0 : index
    %get3A_52 = arith.constant 0 : index
    %get3A_53 = vector.load %arg1[%get3A_51, %get3A_52] : memref<2048x128xf32, #tpu.memory_space<vmem>>, vector<2048x128xf32>
    %slice3A_54 = vector.extract_strided_slice %get3A_50 {offsets = [0, 0], sizes = [128, 128], strides = [1, 1]} : vector<192x128xf32> to vector<128x128xf32>
    %dot_general3A_55 = arith.constant dense<0.000000e+00> : vector<2048x128xf32>
    %dot_general3A_56 = tpu.matmul %get3A_53, %slice3A_54, %dot_general3A_55 {dimension_numbers = #tpu.dot_dimension_numbers<[1], [0], [0], [1], [0, 0, 1, 1], [], []>, transpose_lhs_hint = false} : vector<2048x128xf32>, vector<128x128xf32>, vector<2048x128xf32> -> vector<2048x128xf32>
    %slice3A_57 = vector.extract_strided_slice %get3A_50 {offsets = [128, 0], sizes = [64, 128], strides = [1, 1]} : vector<192x128xf32> to vector<64x128xf32>
    %dot_general3A_58 = arith.constant dense<0.000000e+00> : vector<2048x128xf32>
    %dot_general3A_59 = tpu.matmul %add3A_47, %slice3A_57, %dot_general3A_58 {dimension_numbers = #tpu.dot_dimension_numbers<[1], [0], [0], [1], [0, 0, 1, 1], [], []>, transpose_lhs_hint = false} : vector<2048x64xf32>, vector<64x128xf32>, vector<2048x128xf32> -> vector<2048x128xf32>
    %add3A_60 = arith.addf %dot_general3A_56, %dot_general3A_59 : vector<2048x128xf32>
    %get3A_61 = arith.constant 0 : index
    %get3A_62 = arith.constant 0 : index
    %get3A_63 = vector.load %arg6[%get3A_61, %get3A_62] : memref<1x128xf32, #tpu.memory_space<vmem>>, vector<1x128xf32>
    %add3A_64 = vector.broadcast %get3A_63 : vector<1x128xf32> to vector<2048x128xf32>
    %add3A_65 = arith.addf %add3A_60, %add3A_64 : vector<2048x128xf32>
    %tanh3A = math.tanh %add3A_65 : vector<2048x128xf32>
    %slice3A_66 = vector.extract_strided_slice %get3A_1 {offsets = [2, 0], sizes = [1, 2048], strides = [1, 1]} : vector<8x2048xf32> to vector<1x2048xf32>
    %convert_element_type3A_67 = arith.fptosi %slice3A_66 : vector<1x2048xf32> to vector<1x2048xi32>
    %iota3A = tpu.iota {dimensions = array<i32: 0>} : vector<32x2048xi32>
    %eq3A = vector.broadcast %convert_element_type3A_67 : vector<1x2048xi32> to vector<32x2048xi32>
    %eq3A_68 = arith.cmpi eq, %eq3A, %iota3A : vector<32x2048xi32>
    %convert_element_type3A_69 = arith.extui %eq3A_68 : vector<32x2048xi1> to vector<32x2048xi32>
    %convert_element_type3A_70 = arith.sitofp %convert_element_type3A_69 : vector<32x2048xi32> to vector<32x2048xf32>
    %slice3A_71 = vector.extract_strided_slice %get3A_1 {offsets = [3, 0], sizes = [1, 2048], strides = [1, 1]} : vector<8x2048xf32> to vector<1x2048xf32>
    %convert_element_type3A_72 = arith.fptosi %slice3A_71 : vector<1x2048xf32> to vector<1x2048xi32>
    %iota3A_73 = tpu.iota {dimensions = array<i32: 0>} : vector<512x2048xi32>
    %eq3A_74 = vector.broadcast %convert_element_type3A_72 : vector<1x2048xi32> to vector<512x2048xi32>
    %eq3A_75 = arith.cmpi eq, %eq3A_74, %iota3A_73 : vector<512x2048xi32>
    %convert_element_type3A_76 = arith.extui %eq3A_75 : vector<512x2048xi1> to vector<512x2048xi32>
    %convert_element_type3A_77 = arith.sitofp %convert_element_type3A_76 : vector<512x2048xi32> to vector<512x2048xf32>
    %convert_element_type3A_78 = arith.truncf %convert_element_type3A_77 : vector<512x2048xf32> to vector<512x2048xbf16>
    %get3A_79 = arith.constant 0 : index
    %get3A_80 = arith.constant 0 : index
    %get3A_81 = vector.load %arg7[%get3A_79, %get3A_80] : memref<32x128xf32, #tpu.memory_space<vmem>>, vector<32x128xf32>
    %dot_general3A_82 = arith.constant dense<0.000000e+00> : vector<2048x128xf32>
    %dot_general3A_83 = tpu.matmul %convert_element_type3A_70, %get3A_81, %dot_general3A_82 {dimension_numbers = #tpu.dot_dimension_numbers<[0], [0], [1], [1], [0, 1, 1, 1], [], []>, transpose_lhs_hint = false} : vector<32x2048xf32>, vector<32x128xf32>, vector<2048x128xf32> -> vector<2048x128xf32>
    %add3A_84 = arith.addf %tanh3A, %dot_general3A_83 : vector<2048x128xf32>
    %get3A_85 = arith.constant 0 : index
    %get3A_86 = arith.constant 0 : index
    %get3A_87 = vector.load %arg8[%get3A_85, %get3A_86] : memref<512x128xbf16, #tpu.memory_space<vmem>>, vector<512x128xbf16>
    %dot_general3A_88 = arith.constant dense<0.000000e+00> : vector<2048x128xf32>
    %dot_general3A_89 = tpu.matmul %convert_element_type3A_78, %get3A_87, %dot_general3A_88 {dimension_numbers = #tpu.dot_dimension_numbers<[0], [0], [1], [1], [0, 1, 1, 1], [], []>, transpose_lhs_hint = false} : vector<512x2048xbf16>, vector<512x128xbf16>, vector<2048x128xf32> -> vector<2048x128xf32>
    %add3A_90 = arith.addf %add3A_84, %dot_general3A_89 : vector<2048x128xf32>
    %broadcast_in_dim3A = arith.constant 7.812500e-03 : f32
    %broadcast_in_dim3A_91 = vector.broadcast %broadcast_in_dim3A : f32 to vector<128x128xf32>
    %dot_general3A_92 = arith.constant dense<0.000000e+00> : vector<2048x128xf32>
    %dot_general3A_93 = tpu.matmul %add3A_90, %broadcast_in_dim3A_91, %dot_general3A_92 {dimension_numbers = #tpu.dot_dimension_numbers<[1], [0], [0], [1], [0, 0, 1, 1], [], []>, transpose_lhs_hint = false} : vector<2048x128xf32>, vector<128x128xf32>, vector<2048x128xf32> -> vector<2048x128xf32>
    %sub3A_94 = arith.subf %add3A_90, %dot_general3A_93 : vector<2048x128xf32>
    %mul3A_95 = arith.mulf %sub3A_94, %sub3A_94 : vector<2048x128xf32>
    %dot_general3A_96 = arith.constant dense<0.000000e+00> : vector<2048x128xf32>
    %dot_general3A_97 = tpu.matmul %mul3A_95, %broadcast_in_dim3A_91, %dot_general3A_96 {dimension_numbers = #tpu.dot_dimension_numbers<[1], [0], [0], [1], [0, 0, 1, 1], [], []>, transpose_lhs_hint = false} : vector<2048x128xf32>, vector<128x128xf32>, vector<2048x128xf32> -> vector<2048x128xf32>
    %add3A_98 = arith.constant 9.99999996E-13 : f32
    %add3A_99 = vector.broadcast %add3A_98 : f32 to vector<2048x128xf32>
    %add3A_100 = arith.addf %dot_general3A_97, %add3A_99 : vector<2048x128xf32>
    %rsqrt3A = math.rsqrt %add3A_100 : vector<2048x128xf32>
    %mul3A_101 = arith.mulf %sub3A_94, %rsqrt3A : vector<2048x128xf32>
    %get3A_102 = arith.constant 0 : index
    %get3A_103 = arith.constant 0 : index
    %get3A_104 = vector.load %arg9[%get3A_102, %get3A_103] : memref<1x128xf32, #tpu.memory_space<vmem>>, vector<1x128xf32>
    %mul3A_105 = vector.broadcast %get3A_104 : vector<1x128xf32> to vector<2048x128xf32>
    %mul3A_106 = arith.mulf %mul3A_101, %mul3A_105 : vector<2048x128xf32>
    %get3A_107 = arith.constant 0 : index
    %get3A_108 = arith.constant 0 : index
    %get3A_109 = vector.load %arg10[%get3A_107, %get3A_108] : memref<1x128xf32, #tpu.memory_space<vmem>>, vector<1x128xf32>
    %add3A_110 = vector.broadcast %get3A_109 : vector<1x128xf32> to vector<2048x128xf32>
    %add3A_111 = arith.addf %mul3A_106, %add3A_110 : vector<2048x128xf32>
    %swap3A = arith.constant 0 : index
    %swap3A_112 = arith.constant 0 : index
    %swap3A_113 = vector.load %arg11[%swap3A, %swap3A_112] : memref<2048x128xf32, #tpu.memory_space<vmem>>, vector<2048x128xf32>
    tpu.vector_store %arg11[%swap3A, %swap3A_112], %add3A_111 {strides = array<i32>} : memref<2048x128xf32, #tpu.memory_space<vmem>>, vector<2048x128xf32>,
    return
  }
  func.func @transform_0(%arg0: i32) -> (i32, i32) {
    %c0_i32 = arith.constant 0 : i32
    %c0_i32_0 = arith.constant 0 : i32
    return %arg0, %c0_i32 : i32, i32
  }
  func.func @transform_1(%arg0: i32) -> (i32, i32) {
    %add3A = arith.constant 0 : i32
    %add3A_0 = arith.addi %arg0, %add3A : i32
    %c0_i32 = arith.constant 0 : i32
    %c0_i32_1 = arith.constant 0 : i32
    return %c0_i32, %add3A_0 : i32, i32
  }
  func.func @transform_2(%arg0: i32) -> (i32, i32) {
    %c0_i32 = arith.constant 0 : i32
    %c0_i32_0 = arith.constant 0 : i32
    %c0_i32_1 = arith.constant 0 : i32
    return %c0_i32, %c0_i32_0 : i32, i32
  }
  func.func @transform_3(%arg0: i32) -> (i32, i32) {
    %c0_i32 = arith.constant 0 : i32
    %c0_i32_0 = arith.constant 0 : i32
    %c0_i32_1 = arith.constant 0 : i32
    return %c0_i32, %c0_i32_0 : i32, i32
  }
  func.func @transform_4(%arg0: i32) -> (i32, i32) {
    %c0_i32 = arith.constant 0 : i32
    %c0_i32_0 = arith.constant 0 : i32
    %c0_i32_1 = arith.constant 0 : i32
    return %c0_i32, %c0_i32_0 : i32, i32
  }
  func.func @transform_5(%arg0: i32) -> (i32, i32) {
    %c0_i32 = arith.constant 0 : i32
    %c0_i32_0 = arith.constant 0 : i32
    %c0_i32_1 = arith.constant 0 : i32
    return %c0_i32, %c0_i32_0 : i32, i32
  }
  func.func @transform_6(%arg0: i32) -> (i32, i32) {
    %c0_i32 = arith.constant 0 : i32
    %c0_i32_0 = arith.constant 0 : i32
    %c0_i32_1 = arith.constant 0 : i32
    return %c0_i32, %c0_i32_0 : i32, i32
  }
  func.func @transform_7(%arg0: i32) -> (i32, i32) {
    %c0_i32 = arith.constant 0 : i32
    %c0_i32_0 = arith.constant 0 : i32
    %c0_i32_1 = arith.constant 0 : i32
    return %c0_i32, %c0_i32_0 : i32, i32
  }
  func.func @transform_8(%arg0: i32) -> (i32, i32) {
    %c0_i32 = arith.constant 0 : i32
    %c0_i32_0 = arith.constant 0 : i32
    %c0_i32_1 = arith.constant 0 : i32
    return %c0_i32, %c0_i32_0 : i32, i32
  }
  func.func @transform_9(%arg0: i32) -> (i32, i32) {
    %c0_i32 = arith.constant 0 : i32
    %c0_i32_0 = arith.constant 0 : i32
    %c0_i32_1 = arith.constant 0 : i32
    return %c0_i32, %c0_i32_0 : i32, i32
  }
  func.func @transform_10(%arg0: i32) -> (i32, i32) {
    %add3A = arith.constant 0 : i32
    %add3A_0 = arith.addi %arg0, %add3A : i32
    %c0_i32 = arith.constant 0 : i32
    %c0_i32_1 = arith.constant 0 : i32
    return %add3A_0, %c0_i32 : i32, i32
  }
}

module attributes {stable_mosaic.version = 14 : i64} {
  func.func @_tc_body_alias(%arg0: i32, %arg1: memref<204800x128xf32, #tpu.memory_space<any>>, %arg2: memref<2048x128xf32, #tpu.memory_space<vmem>>, %arg3: memref<8x2048xf32, #tpu.memory_space<vmem>>, %arg4: memref<2x64xf32, #tpu.memory_space<vmem>>, %arg5: memref<1x64xf32, #tpu.memory_space<vmem>>, %arg6: memref<192x128xf32, #tpu.memory_space<vmem>>, %arg7: memref<1x128xf32, #tpu.memory_space<vmem>>, %arg8: memref<32x128xf32, #tpu.memory_space<vmem>>, %arg9: memref<512x128xbf16, #tpu.memory_space<vmem>>, %arg10: memref<1x128xf32, #tpu.memory_space<vmem>>, %arg11: memref<1x128xf32, #tpu.memory_space<vmem>>, %arg12: memref<2048x128xf32, #tpu.memory_space<vmem>>) attributes {dimension_semantics = [#tpu.dimension_semantics<arbitrary>], iteration_bounds = array<i64: 50>, scalar_prefetch = 0 : i64, scratch_operands = 0 : i64, tpu.core_type = #tpu.core_type<tc>, window_params = [{}, {transform_indices = @transform_1, window_bounds = array<i64: 2048, 128>}, {transform_indices = @transform_2, window_bounds = array<i64: 8, 2048>}, {pipeline_mode = #tpu.pipeline_mode<synchronous>, transform_indices = @transform_3, window_bounds = array<i64: 2, 64>}, {pipeline_mode = #tpu.pipeline_mode<synchronous>, transform_indices = @transform_4, window_bounds = array<i64: 1, 64>}, {pipeline_mode = #tpu.pipeline_mode<synchronous>, transform_indices = @transform_5, window_bounds = array<i64: 192, 128>}, {pipeline_mode = #tpu.pipeline_mode<synchronous>, transform_indices = @transform_6, window_bounds = array<i64: 1, 128>}, {pipeline_mode = #tpu.pipeline_mode<synchronous>, transform_indices = @transform_7, window_bounds = array<i64: 32, 128>}, {pipeline_mode = #tpu.pipeline_mode<synchronous>, transform_indices = @transform_8, window_bounds = array<i64: 512, 128>}, {pipeline_mode = #tpu.pipeline_mode<synchronous>, transform_indices = @transform_9, window_bounds = array<i64: 1, 128>}, {pipeline_mode = #tpu.pipeline_mode<synchronous>, transform_indices = @transform_10, window_bounds = array<i64: 1, 128>}, {transform_indices = @transform_11, window_bounds = array<i64: 2048, 128>}]} {
    %get3A = arith.constant 0 : index
    %get3A_0 = arith.constant 0 : index
    %get3A_1 = vector.load %arg3[%get3A, %get3A_0] : memref<8x2048xf32, #tpu.memory_space<vmem>>, vector<8x2048xf32>
    %slice3A = vector.extract_strided_slice %get3A_1 {offsets = [0, 0], sizes = [2, 2048], strides = [1, 1]} : vector<8x2048xf32> to vector<2x2048xf32>
    %convert_element_type3A = arith.truncf %slice3A : vector<2x2048xf32> to vector<2x2048xbf16>
    %convert_element_type3A_2 = arith.extf %convert_element_type3A : vector<2x2048xbf16> to vector<2x2048xf32>
    %sub3A = arith.subf %slice3A, %convert_element_type3A_2 : vector<2x2048xf32>
    %get3A_3 = arith.constant 0 : index
    %get3A_4 = arith.constant 0 : index
    %get3A_5 = vector.load %arg4[%get3A_3, %get3A_4] : memref<2x64xf32, #tpu.memory_space<vmem>>, vector<2x64xf32>
    %convert_element_type3A_6 = arith.truncf %get3A_5 : vector<2x64xf32> to vector<2x64xbf16>
    %convert_element_type3A_7 = arith.extf %convert_element_type3A_6 : vector<2x64xbf16> to vector<2x64xf32>
    %sub3A_8 = arith.subf %get3A_5, %convert_element_type3A_7 : vector<2x64xf32>
    %dot_general3A = arith.constant dense<0.000000e+00> : vector<2048x64xf32>
    %dot_general3A_9 = tpu.matmul %convert_element_type3A_2, %convert_element_type3A_7, %dot_general3A {dimension_numbers = #tpu.dot_dimension_numbers<[0], [0], [1], [1], [0, 1, 1, 1], [], []>, transpose_lhs_hint = false} : vector<2x2048xf32>, vector<2x64xf32>, vector<2048x64xf32> -> vector<2048x64xf32>
    %dot_general3A_10 = arith.constant dense<0.000000e+00> : vector<2048x64xf32>
    %dot_general3A_11 = tpu.matmul %sub3A, %convert_element_type3A_7, %dot_general3A_10 {dimension_numbers = #tpu.dot_dimension_numbers<[0], [0], [1], [1], [0, 1, 1, 1], [], []>, transpose_lhs_hint = false} : vector<2x2048xf32>, vector<2x64xf32>, vector<2048x64xf32> -> vector<2048x64xf32>
    %add3A = arith.addf %dot_general3A_9, %dot_general3A_11 : vector<2048x64xf32>
    %dot_general3A_12 = arith.constant dense<0.000000e+00> : vector<2048x64xf32>
    %dot_general3A_13 = tpu.matmul %convert_element_type3A_2, %sub3A_8, %dot_general3A_12 {dimension_numbers = #tpu.dot_dimension_numbers<[0], [0], [1], [1], [0, 1, 1, 1], [], []>, transpose_lhs_hint = false} : vector<2x2048xf32>, vector<2x64xf32>, vector<2048x64xf32> -> vector<2048x64xf32>
    %add3A_14 = arith.addf %add3A, %dot_general3A_13 : vector<2048x64xf32>
    %get3A_15 = arith.constant 0 : index
    %get3A_16 = arith.constant 0 : index
    %get3A_17 = vector.load %arg5[%get3A_15, %get3A_16] : memref<1x64xf32, #tpu.memory_space<vmem>>, vector<1x64xf32>
    %add3A_18 = vector.broadcast %get3A_17 : vector<1x64xf32> to vector<2048x64xf32>
    %add3A_19 = arith.addf %add3A_14, %add3A_18 : vector<2048x64xf32>
    %mul3A = arith.constant 0.159154937 : f32
    %mul3A_20 = vector.broadcast %mul3A : f32 to vector<2048x64xf32>
    %mul3A_21 = arith.mulf %add3A_19, %mul3A_20 : vector<2048x64xf32>
    %round3A = math.roundeven %mul3A_21 : vector<2048x64xf32>
    %mul3A_22 = arith.constant 6.28318548 : f32
    %mul3A_23 = vector.broadcast %mul3A_22 : f32 to vector<2048x64xf32>
    %mul3A_24 = arith.mulf %round3A, %mul3A_23 : vector<2048x64xf32>
    %sub3A_25 = arith.subf %add3A_19, %mul3A_24 : vector<2048x64xf32>
    %mul3A_26 = arith.mulf %sub3A_25, %sub3A_25 : vector<2048x64xf32>
    %mul3A_27 = arith.constant -2.50521079E-8 : f32
    %mul3A_28 = vector.broadcast %mul3A_27 : f32 to vector<2048x64xf32>
    %mul3A_29 = arith.mulf %mul3A_26, %mul3A_28 : vector<2048x64xf32>
    %add3A_30 = arith.constant 2.75573188E-6 : f32
    %add3A_31 = vector.broadcast %add3A_30 : f32 to vector<2048x64xf32>
    %add3A_32 = arith.addf %add3A_31, %mul3A_29 : vector<2048x64xf32>
    %mul3A_33 = arith.mulf %mul3A_26, %add3A_32 : vector<2048x64xf32>
    %add3A_34 = arith.constant -1.98412701E-4 : f32
    %add3A_35 = vector.broadcast %add3A_34 : f32 to vector<2048x64xf32>
    %add3A_36 = arith.addf %add3A_35, %mul3A_33 : vector<2048x64xf32>
    %mul3A_37 = arith.mulf %mul3A_26, %add3A_36 : vector<2048x64xf32>
    %add3A_38 = arith.constant 0.00833333377 : f32
    %add3A_39 = vector.broadcast %add3A_38 : f32 to vector<2048x64xf32>
    %add3A_40 = arith.addf %add3A_39, %mul3A_37 : vector<2048x64xf32>
    %mul3A_41 = arith.mulf %mul3A_26, %add3A_40 : vector<2048x64xf32>
    %add3A_42 = arith.constant -0.166666672 : f32
    %add3A_43 = vector.broadcast %add3A_42 : f32 to vector<2048x64xf32>
    %add3A_44 = arith.addf %add3A_43, %mul3A_41 : vector<2048x64xf32>
    %mul3A_45 = arith.mulf %sub3A_25, %mul3A_26 : vector<2048x64xf32>
    %mul3A_46 = arith.mulf %mul3A_45, %add3A_44 : vector<2048x64xf32>
    %add3A_47 = arith.addf %sub3A_25, %mul3A_46 : vector<2048x64xf32>
    %get3A_48 = arith.constant 0 : index
    %get3A_49 = arith.constant 0 : index
    %get3A_50 = vector.load %arg6[%get3A_48, %get3A_49] : memref<192x128xf32, #tpu.memory_space<vmem>>, vector<192x128xf32>
    %get3A_51 = arith.constant 0 : index
    %get3A_52 = arith.constant 0 : index
    %get3A_53 = vector.load %arg2[%get3A_51, %get3A_52] : memref<2048x128xf32, #tpu.memory_space<vmem>>, vector<2048x128xf32>
    %slice3A_54 = vector.extract_strided_slice %get3A_50 {offsets = [0, 0], sizes = [128, 128], strides = [1, 1]} : vector<192x128xf32> to vector<128x128xf32>
    %dot_general3A_55 = arith.constant dense<0.000000e+00> : vector<2048x128xf32>
    %dot_general3A_56 = tpu.matmul %get3A_53, %slice3A_54, %dot_general3A_55 {dimension_numbers = #tpu.dot_dimension_numbers<[1], [0], [0], [1], [0, 0, 1, 1], [], []>, transpose_lhs_hint = false} : vector<2048x128xf32>, vector<128x128xf32>, vector<2048x128xf32> -> vector<2048x128xf32>
    %slice3A_57 = vector.extract_strided_slice %get3A_50 {offsets = [128, 0], sizes = [64, 128], strides = [1, 1]} : vector<192x128xf32> to vector<64x128xf32>
    %dot_general3A_58 = arith.constant dense<0.000000e+00> : vector<2048x128xf32>
    %dot_general3A_59 = tpu.matmul %add3A_47, %slice3A_57, %dot_general3A_58 {dimension_numbers = #tpu.dot_dimension_numbers<[1], [0], [0], [1], [0, 0, 1, 1], [], []>, transpose_lhs_hint = false} : vector<2048x64xf32>, vector<64x128xf32>, vector<2048x128xf32> -> vector<2048x128xf32>
    %add3A_60 = arith.addf %dot_general3A_56, %dot_general3A_59 : vector<2048x128xf32>
    %get3A_61 = arith.constant 0 : index
    %get3A_62 = arith.constant 0 : index
    %get3A_63 = vector.load %arg7[%get3A_61, %get3A_62] : memref<1x128xf32, #tpu.memory_space<vmem>>, vector<1x128xf32>
    %add3A_64 = vector.broadcast %get3A_63 : vector<1x128xf32> to vector<2048x128xf32>
    %add3A_65 = arith.addf %add3A_60, %add3A_64 : vector<2048x128xf32>
    %tanh3A = math.tanh %add3A_65 : vector<2048x128xf32>
    %slice3A_66 = vector.extract_strided_slice %get3A_1 {offsets = [2, 0], sizes = [1, 2048], strides = [1, 1]} : vector<8x2048xf32> to vector<1x2048xf32>
    %convert_element_type3A_67 = arith.fptosi %slice3A_66 : vector<1x2048xf32> to vector<1x2048xi32>
    %iota3A = tpu.iota {dimensions = array<i32: 0>} : vector<32x2048xi32>
    %eq3A = vector.broadcast %convert_element_type3A_67 : vector<1x2048xi32> to vector<32x2048xi32>
    %eq3A_68 = arith.cmpi eq, %eq3A, %iota3A : vector<32x2048xi32>
    %convert_element_type3A_69 = arith.extui %eq3A_68 : vector<32x2048xi1> to vector<32x2048xi32>
    %convert_element_type3A_70 = arith.sitofp %convert_element_type3A_69 : vector<32x2048xi32> to vector<32x2048xf32>
    %slice3A_71 = vector.extract_strided_slice %get3A_1 {offsets = [3, 0], sizes = [1, 2048], strides = [1, 1]} : vector<8x2048xf32> to vector<1x2048xf32>
    %convert_element_type3A_72 = arith.fptosi %slice3A_71 : vector<1x2048xf32> to vector<1x2048xi32>
    %iota3A_73 = tpu.iota {dimensions = array<i32: 0>} : vector<512x2048xi32>
    %eq3A_74 = vector.broadcast %convert_element_type3A_72 : vector<1x2048xi32> to vector<512x2048xi32>
    %eq3A_75 = arith.cmpi eq, %eq3A_74, %iota3A_73 : vector<512x2048xi32>
    %convert_element_type3A_76 = arith.extui %eq3A_75 : vector<512x2048xi1> to vector<512x2048xi32>
    %convert_element_type3A_77 = arith.sitofp %convert_element_type3A_76 : vector<512x2048xi32> to vector<512x2048xf32>
    %convert_element_type3A_78 = arith.truncf %convert_element_type3A_77 : vector<512x2048xf32> to vector<512x2048xbf16>
    %get3A_79 = arith.constant 0 : index
    %get3A_80 = arith.constant 0 : index
    %get3A_81 = vector.load %arg8[%get3A_79, %get3A_80] : memref<32x128xf32, #tpu.memory_space<vmem>>, vector<32x128xf32>
    %dot_general3A_82 = arith.constant dense<0.000000e+00> : vector<2048x128xf32>
    %dot_general3A_83 = tpu.matmul %convert_element_type3A_70, %get3A_81, %dot_general3A_82 {dimension_numbers = #tpu.dot_dimension_numbers<[0], [0], [1], [1], [0, 1, 1, 1], [], []>, transpose_lhs_hint = false} : vector<32x2048xf32>, vector<32x128xf32>, vector<2048x128xf32> -> vector<2048x128xf32>
    %add3A_84 = arith.addf %tanh3A, %dot_general3A_83 : vector<2048x128xf32>
    %get3A_85 = arith.constant 0 : index
    %get3A_86 = arith.constant 0 : index
    %get3A_87 = vector.load %arg9[%get3A_85, %get3A_86] : memref<512x128xbf16, #tpu.memory_space<vmem>>, vector<512x128xbf16>
    %dot_general3A_88 = arith.constant dense<0.000000e+00> : vector<2048x128xf32>
    %dot_general3A_89 = tpu.matmul %convert_element_type3A_78, %get3A_87, %dot_general3A_88 {dimension_numbers = #tpu.dot_dimension_numbers<[0], [0], [1], [1], [0, 1, 1, 1], [], []>, transpose_lhs_hint = false} : vector<512x2048xbf16>, vector<512x128xbf16>, vector<2048x128xf32> -> vector<2048x128xf32>
    %add3A_90 = arith.addf %add3A_84, %dot_general3A_89 : vector<2048x128xf32>
    %broadcast_in_dim3A = arith.constant 7.812500e-03 : f32
    %broadcast_in_dim3A_91 = vector.broadcast %broadcast_in_dim3A : f32 to vector<128x128xf32>
    %dot_general3A_92 = arith.constant dense<0.000000e+00> : vector<2048x128xf32>
    %dot_general3A_93 = tpu.matmul %add3A_90, %broadcast_in_dim3A_91, %dot_general3A_92 {dimension_numbers = #tpu.dot_dimension_numbers<[1], [0], [0], [1], [0, 0, 1, 1], [], []>, transpose_lhs_hint = false} : vector<2048x128xf32>, vector<128x128xf32>, vector<2048x128xf32> -> vector<2048x128xf32>
    %sub3A_94 = arith.subf %add3A_90, %dot_general3A_93 : vector<2048x128xf32>
    %mul3A_95 = arith.mulf %sub3A_94, %sub3A_94 : vector<2048x128xf32>
    %dot_general3A_96 = arith.constant dense<0.000000e+00> : vector<2048x128xf32>
    %dot_general3A_97 = tpu.matmul %mul3A_95, %broadcast_in_dim3A_91, %dot_general3A_96 {dimension_numbers = #tpu.dot_dimension_numbers<[1], [0], [0], [1], [0, 0, 1, 1], [], []>, transpose_lhs_hint = false} : vector<2048x128xf32>, vector<128x128xf32>, vector<2048x128xf32> -> vector<2048x128xf32>
    %add3A_98 = arith.constant 9.99999996E-13 : f32
    %add3A_99 = vector.broadcast %add3A_98 : f32 to vector<2048x128xf32>
    %add3A_100 = arith.addf %dot_general3A_97, %add3A_99 : vector<2048x128xf32>
    %rsqrt3A = math.rsqrt %add3A_100 : vector<2048x128xf32>
    %mul3A_101 = arith.mulf %sub3A_94, %rsqrt3A : vector<2048x128xf32>
    %get3A_102 = arith.constant 0 : index
    %get3A_103 = arith.constant 0 : index
    %get3A_104 = vector.load %arg10[%get3A_102, %get3A_103] : memref<1x128xf32, #tpu.memory_space<vmem>>, vector<1x128xf32>
    %mul3A_105 = vector.broadcast %get3A_104 : vector<1x128xf32> to vector<2048x128xf32>
    %mul3A_106 = arith.mulf %mul3A_101, %mul3A_105 : vector<2048x128xf32>
    %get3A_107 = arith.constant 0 : index
    %get3A_108 = arith.constant 0 : index
    %get3A_109 = vector.load %arg11[%get3A_107, %get3A_108] : memref<1x128xf32, #tpu.memory_space<vmem>>, vector<1x128xf32>
    %add3A_110 = vector.broadcast %get3A_109 : vector<1x128xf32> to vector<2048x128xf32>
    %add3A_111 = arith.addf %mul3A_106, %add3A_110 : vector<2048x128xf32>
    %swap3A = arith.constant 0 : index
    %swap3A_112 = arith.constant 0 : index
    %swap3A_113 = vector.load %arg12[%swap3A, %swap3A_112] : memref<2048x128xf32, #tpu.memory_space<vmem>>, vector<2048x128xf32>
    tpu.vector_store %arg12[%swap3A, %swap3A_112], %add3A_111 {strides = array<i32>} : memref<2048x128xf32, #tpu.memory_space<vmem>>, vector<2048x128xf32>,
    return
  }
  func.func @transform_1(%arg0: i32) -> (i32, i32) {
    %c0_i32 = arith.constant 0 : i32
    %c0_i32_0 = arith.constant 0 : i32
    return %arg0, %c0_i32 : i32, i32
  }
  func.func @transform_2(%arg0: i32) -> (i32, i32) {
    %add3A = arith.constant 50 : i32
    %add3A_0 = arith.addi %arg0, %add3A : i32
    %c0_i32 = arith.constant 0 : i32
    %c0_i32_1 = arith.constant 0 : i32
    return %c0_i32, %add3A_0 : i32, i32
  }
  func.func @transform_3(%arg0: i32) -> (i32, i32) {
    %c0_i32 = arith.constant 0 : i32
    %c0_i32_0 = arith.constant 0 : i32
    %c0_i32_1 = arith.constant 0 : i32
    return %c0_i32, %c0_i32_0 : i32, i32
  }
  func.func @transform_4(%arg0: i32) -> (i32, i32) {
    %c0_i32 = arith.constant 0 : i32
    %c0_i32_0 = arith.constant 0 : i32
    %c0_i32_1 = arith.constant 0 : i32
    return %c0_i32, %c0_i32_0 : i32, i32
  }
  func.func @transform_5(%arg0: i32) -> (i32, i32) {
    %c0_i32 = arith.constant 0 : i32
    %c0_i32_0 = arith.constant 0 : i32
    %c0_i32_1 = arith.constant 0 : i32
    return %c0_i32, %c0_i32_0 : i32, i32
  }
  func.func @transform_6(%arg0: i32) -> (i32, i32) {
    %c0_i32 = arith.constant 0 : i32
    %c0_i32_0 = arith.constant 0 : i32
    %c0_i32_1 = arith.constant 0 : i32
    return %c0_i32, %c0_i32_0 : i32, i32
  }
  func.func @transform_7(%arg0: i32) -> (i32, i32) {
    %c0_i32 = arith.constant 0 : i32
    %c0_i32_0 = arith.constant 0 : i32
    %c0_i32_1 = arith.constant 0 : i32
    return %c0_i32, %c0_i32_0 : i32, i32
  }
  func.func @transform_8(%arg0: i32) -> (i32, i32) {
    %c0_i32 = arith.constant 0 : i32
    %c0_i32_0 = arith.constant 0 : i32
    %c0_i32_1 = arith.constant 0 : i32
    return %c0_i32, %c0_i32_0 : i32, i32
  }
  func.func @transform_9(%arg0: i32) -> (i32, i32) {
    %c0_i32 = arith.constant 0 : i32
    %c0_i32_0 = arith.constant 0 : i32
    %c0_i32_1 = arith.constant 0 : i32
    return %c0_i32, %c0_i32_0 : i32, i32
  }
  func.func @transform_10(%arg0: i32) -> (i32, i32) {
    %c0_i32 = arith.constant 0 : i32
    %c0_i32_0 = arith.constant 0 : i32
    %c0_i32_1 = arith.constant 0 : i32
    return %c0_i32, %c0_i32_0 : i32, i32
  }
  func.func @transform_11(%arg0: i32) -> (i32, i32) {
    %add3A = arith.constant 50 : i32
    %add3A_0 = arith.addi %arg0, %add3A : i32
    %c0_i32 = arith.constant 0 : i32
    %c0_i32_1 = arith.constant 0 : i32
    return %add3A_0, %c0_i32 : i32, i32
  }
}

</mosaic_0001>

<sc_bundles>
// kernel: kernel.6.cloned.1.call-start
scs
__scs_entry_jumppad:
0x0: {  	(pc) =	sbr.rel $0x88, $3  }
0x1: {  	(tag) =	ssettag $0x0;
	lr =	simm.s32 $0x1  }
0x2: {  	[smem:$0x3F8F] =	sst lr;
	_ =	strace $0xD0000000  }
0x3: {  	_ = 	snop  }
0x4: {  	_ = 	snop  }
0x5: {  	_ = 	snop  }
0x6: {  	_ = 	snop  }
0x7: {  	_ = 	snop  }
__scs_overlays_trampoline_lowered:
0x8: {  	[smem:$0x3F9E] =	sst s0  }
0x9: {  	[smem:$0x3F9F] =	sst s1  }
0xa: {  	[smem:$0x3FA0] =	sst s2  }
0xb: {  	[smem:$0x3FA1] =	sst s3  }
0xc: {  	[smem:$0x3FA2] =	sst s4  }
0xd: {  	[smem:$0x3FA3] =	sst s5  }
0xe: {  	[smem:$0x3FA4] =	sst s6  }
0xf: {  	[smem:$0x3FA5] =	sst s7  }
0x10: {  	[smem:$0x3FA6] =	sst s8  }
0x11: {  	[smem:$0x3FA7] =	sst s9;
	s0 =	simm.s32 @!p0 $0x0  }
0x12: {  	s1 =	sld [smem:$0x3F8D];
	s0 =	simm.s32 @p0 $0x1  }
0x13: {  	[smem:$0x3FA8] =	sst s0;
	s0 =	simm.s32 @!p1 $0x0  }
0x14: {  	s2 =	sld [smem:$0x3F8C];
	s0 =	simm.s32 @p1 $0x1  }
0x15: {  	[smem:$0x3FA9] =	sst s0;
	s0 =	simm.s32 @!p2 $0x0  }
0x16: {  	s3 =	sld [smem:$0x3FDB];
	s0 =	simm.s32 @p2 $0x1  }
0x17: {  	s4 =	simm.s32 $0x1BF5;
	[smem:$0x3FAB] =	sst s0  }
0x18: {  	s0 =	sld [smem:$0x3F8E];
	_ =	swait.ge [sflag:s4], $0x0  }
0x19: {  	s7 =	sld [smem:$0x3F8F]  }
0x1a: {  	s8 =	sadd.s32 $0xFFFFE003, lr  }
0x1b: {  	s9 =	sadd.s32 $0xFFFFFEF7, lr;
	s5 =	simm.s32 $0xFFFFFFFF;
	p2 =	slt.u32 s8, $0xFFFFF086  }
0x1c: {  	p1 =	slt.u32 s9, $0xF7A;
	s5 =	simm.s32 @!p2 $0x0  }
0x1d: {  	s5 =	simm.s32 @p1 $0x1;
	p0 =	seq.s32 s7, s2  }
0x1e: {  	s7 =	smul.u32 @!p0 $0xF7A, s2;
	p2 =	seq.s32 @!p0 s5, $0x0  }
0x1f: {  	s9 =	smul.u32 $0xF7A, s1;
	s8 =	simm.s32 @!p0 $0x1BF5;
	p2 =	por !p2, p0  }
0x20: {  	[sflag:s8] =	ssyncset.s32 @!p0 $0xFFFFF086;
	s6 =	sadd.s32 @!p0 s3, s7;
	s7 =	simm.s32 @!p0 $0x108  }
0x21: {  	s3 =	sadd.s32 s3, s9;
	s6 =	sadd.s32 @!p0 $0x88, s6;
	s7 =	simm.s32 @p2 $0x1082  }
0x22: {  	[simem:s7], [sflag:s8] =	dma.local @!p0 [hbm:s6], $0xF7A  }
0x23: {  	s9 =	sor.u32 $0xD0000000, s2;
	s6 =	simm.s32 $0x108;
	_ =	swait.ge @!p0 [sflag:s8], $0x0  }
0x24: {  	s3 =	sadd.s32 $0x88, s3;
	s6 =	simm.s32 @!p1 $0x1082;
	[sflag:s4] =	ssyncset.s32 $0xFFFFF086  }
0x25: {  	[simem:s6], [sflag:s4] =	dma.local [hbm:s3], $0xF7A  }
0x26: {  	[smem:$0x3F8F] =	sst s1;
	(tag) =	ssettag s2;
	_ =	strace s9  }
0x27: {  	s1 =	sld [smem:$0x3F9F]  }
0x28: {  	s2 =	sld [smem:$0x3FA0]  }
0x29: {  	s4 =	sld [smem:$0x3FA2]  }
0x2a: {  	p0 =	seq.s32 s5, $0x0;
	s5 =	sld [smem:$0x3FA3]  }
0x2b: {  	s6 =	sld [smem:$0x3FA4]  }
0x2c: {  	s7 =	sld [smem:$0x3FA5]  }
0x2d: {  	s3 =	simm.s32 $0x108;
	s8 =	sld [smem:$0x3FA6]  }
0x2e: {  	s3 =	simm.s32 @!p0 $0x1082;
	s9 =	sld [smem:$0x3FA7]  }
0x2f: {  	lr =	sadd.s32 s0, s3;
	s0 =	sld [smem:$0x3F9E]  }
0x30: {  	s3 =	sld [smem:$0x3FA1]  }
0x31: {  	[smem:$0x3FAA] =	sst s10  }
0x32: {  	s10 =	sld [smem:$0x3FA8];
	_ =	sdelay $0x3  }
0x33: {  	p0 =	seq.s32 s10, $0x1;
	s10 =	sld [smem:$0x3FAA];
	_ =	sdelay $0x3  }
0x34: {  	[smem:$0x3FAA] =	sst s10  }
0x35: {  	s10 =	sld [smem:$0x3FA9];
	_ =	sdelay $0x3  }
0x36: {  	p1 =	seq.s32 s10, $0x1;
	s10 =	sld [smem:$0x3FAA];
	_ =	sdelay $0x3  }
0x37: {  	[smem:$0x3FAA] =	sst s10  }
0x38: {  	s10 =	sld [smem:$0x3FAB]  }
0x39: {  	_ = 	snop;
	(pc) =	sbr.ind lr, $3  }
0x3a: {  	_ = 	snop  }
0x3b: {  	_ = 	snop  }
0x3c: {  	p2 =	seq.s32 s10, $0x1;
	s10 =	sld [smem:$0x3FAA]  }
0x3d: {  	_ =	shalt  }
0x3e: {  	_ =	shalt  }
0x3f: {  	_ =	shalt  }
0x40: {  	_ =	shalt  }
0x41: {  	_ =	shalt  }
0x42: {  	_ =	shalt  }
0x43: {  	_ =	shalt  }
0x44: {  	_ =	shalt  }
0x45: {  	_ =	shalt  }
0x46: {  	_ =	shalt  }
0x47: {  	_ =	shalt  }
0x48: {  	_ =	shalt  }
0x49: {  	_ =	shalt  }
0x4a: {  	_ =	shalt  }
0x4b: {  	_ =	shalt  }
0x4c: {  	_ =	shalt  }
0x4d: {  	_ =	shalt  }
0x4e: {  	_ =	shalt  }
0x4f: {  	_ =	shalt  }
0x50: {  	_ =	shalt  }
0x51: {  	_ =	shalt  }
0x52: {  	_ =	shalt  }
0x53: {  	_ =	shalt  }
0x54: {  	_ =	shalt  }
0x55: {  	_ =	shalt  }
0x56: {  	_ =	shalt  }
0x57: {  	_ =	shalt  }
0x58: {  	_ =	shalt  }
0x59: {  	_ =	shalt  }
0x5a: {  	_ =	shalt  }
0x5b: {  	_ =	shalt  }
0x5c: {  	_ =	shalt  }
0x5d: {  	_ =	shalt  }
0x5e: {  	_ =	shalt  }
0x5f: {  	_ =	shalt  }
0x60: {  	_ =	shalt  }
0x61: {  	_ =	shalt  }
0x62: {  	_ =	shalt  }
0x63: {  	_ =	shalt  }
0x64: {  	_ =	shalt  }
0x65: {  	_ =	shalt  }
0x66: {  	_ =	shalt  }
0x67: {  	_ =	shalt  }
0x68: {  	_ =	shalt  }
0x69: {  	_ =	shalt  }
0x6a: {  	_ =	shalt  }
0x6b: {  	_ =	shalt  }
0x6c: {  	_ =	shalt  }
0x6d: {  	_ =	shalt  }
0x6e: {  	_ =	shalt  }
0x6f: {  	_ =	shalt  }
0x70: {  	_ =	shalt  }
0x71: {  	_ =	shalt  }
0x72: {  	_ =	shalt  }
0x73: {  	_ =	shalt  }
0x74: {  	_ =	shalt  }
0x75: {  	_ =	shalt  }
0x76: {  	_ =	shalt  }
0x77: {  	_ =	shalt  }
0x78: {  	_ =	shalt  }
0x79: {  	_ =	shalt  }
0x7a: {  	_ =	shalt  }
0x7b: {  	_ =	shalt  }
0x7c: {  	_ =	shalt  }
0x7d: {  	_ =	shalt  }
0x7e: {  	_ =	shalt  }
0x7f: {  	_ =	shalt  }
0x80: {  	_ =	shalt  }
0x81: {  	_ =	shalt  }
0x82: {  	_ =	shalt  }
0x83: {  	_ =	shalt  }
0x84: {  	_ =	shalt  }
0x85: {  	_ =	shalt  }
0x86: {  	_ =	shalt  }
0x87: {  	_ =	shalt  }
.Lfunc_end0:
.L_simem_size_0:
called_computation_lowered:
.L_overlay_start_0:
0x88: {  	s2 =	sld [smem:$0x3FD9]  }
0x89: {  	s3 =	sld [smem:$0x3FFE];
	_ =	sdelay $0x1  }
0x8a: {  	s1 =	srdreg.scid  }
0x8b: {  	s0 =	sand.u32 $0x1, s1  }
0x8c: {  	s17 =	sshll.u32 s0, $0xA;
	s2 =	sadd.s32 s3, s2  }
0x8d: {  	s2 =	sadd.s32 s2, s17  }
0x8e: {  	[smem:$0x3FB6] =	sst s2  }
0x8f: {  	_ = 	snop  }
0x90: {  	s2 =	sld [smem:$0x3FC3]  }
0x91: {  	s18 =	sld [smem:$0x3FD0];
	(tm) =	ssettm $0x1  }
0x92: {  	s4 =	sld [smem:$0x3FFB];
	_ =	sdelay $0x3  }
0x93: {  	_ =	strace s4  }
0x94: {  	s4 =	sld [smem:$0x3FFC];
	_ =	sdelay $0x3  }
0x95: {  	_ =	strace s4  }
0x96: {  	s4 =	sld [smem:$0x3FFD];
	_ =	sdelay $0x3  }
0x97: {  	_ =	strace s4  }
0x98: {  	_ =	strace $0x8FFFFFFF  }
0x99: {  	s19 =	sld [smem:$0x3FDB];
	_ =	sdelay $0x1  }
0x9a: {  	s5 =	simm.s32 $_scs_section_size  }
0x9b: {  	s6 =	simm.s32 $_size__tile_overlayer_lowered;
	s7 =	simm.s32 $_tile_overlayer_lowered  }
0x9c: {  	s22 =	simm.s32 $0x1BFF;
	s21 =	sshll.u32 s7, $0x1;
	s4 =	sadd.s32 s5, s19  }
0x9d: {  	s8 =	simm.s32 $0x0;
	s20 =	sshll.u32 s6, $0x1;
	s6 =	sadd.s32 s21, s4  }
0x9e: {  	[timem:s8], [sflag:s22] =	dma.local [hbm:s6], s20  }
0x9f: {  	_ =	swait.ge [sflag:s22], s20  }
0xa0: {  	s5 =	ssub.s32 $0x0, s20;
	[sflag:s22] =	ssyncset.done $0x0  }
0xa1: {  	[sflag:s22] =	ssyncadd.s32 s5;
	_ =	sdelay $0x1  }
0xa2: {  	s23 =	simm.s32 $0x1B8B  }
0xa3: {  	_ =	swait.ge [sflag:s23], $0x1  }
0xa4: {  	[sflag:s23] =	ssyncset.done $0x0  }
0xa5: {  	s25 =	simm.s32 $0x1B8E;
	s24 =	sld [smem:$0x3FFE];
	[sflag:s23] =	ssyncadd.s32 $0xFFFFFFFF  }
0xa6: {  	s26 =	simm.s32 $execute0_lowered;
	[smem:$0x3FD2] =	sst s25  }
0xa7: {  	s6 =	sshll.u32 s26, $0x1;
	_ =	strace $0x80000046;
	[dreg:$0x1] =	wrdreg $0xFFFFFFFF  }
0xa8: {  	s28 =	simm.s32 $_size_execute0_lowered;
	s4 =	sadd.s32 s4, s6;
	[dreg:$0x0] =	wrdreg $0x0  }
0xa9: {  	s6 =	sshll.u32 s28, $0x1;
	[dreg:$0x2] =	wrdreg s4  }
0xaa: {  	[dreg:$0x3] =	wrdreg s6  }
0xab: {  	[dreg:$0x4] =	wrdreg $0xC0  }
0xac: {  	_ =	task [dreg:s8], $0x5FFFF  }
0xad: {  	[dreg:$0x1] =	wrdreg $0xFFFFFFFF  }
0xae: {  	[dreg:$0x0] =	wrdreg $0x60  }
0xaf: {  	[dreg:$0x2] =	wrdreg s2  }
0xb0: {  	[dreg:$0x3] =	wrdreg s18  }
0xb1: {  	[dreg:$0x4] =	wrdreg s24  }
0xb2: {  	[dreg:$0x5] =	wrdreg $0x9  }
0xb3: {  	_ =	task.clear_ibuf [dreg:s8], $0x6FFFF;
	_ =	strace $0x90000046  }
0xb4: {  	s29 =	simm.s32 $0x9;
	_ =	strace $0x80000048  }
0xb5: {  	_ =	swait.ge [sflag:s29], $0x1  }
0xb6: {  	[sflag:s29] =	ssyncadd.s32 $0xFFFFFFFF  }
0xb7: {  	_ =	strace $0x90000048  }
0xb8: {  	_ =	sfence  }
0xb9: {  	s30 =	sld [smem:$0x0];
	_ =	sdelay $0x2  }
0xba: {  	s31 =	sshll.u32 s1, $0xD;
	s1 =	sshrl.u32 s1, $0x2  }
0xbb: {  	s3 =	sand.u32 $0x4000, s31;
	s1 =	sadd.s32 s1, s30  }
0xbc: {  	s0 =	sor.u32 s3, s0;
	s1 =	sshll.u32 s1, $0x11  }
0xbd: {  	s0 =	sor.u32 s1, s0  }
0xbe: {  	s0 =	sadd.s32 $0x8F2B, s0  }
0xbf: {  	[sflag:s0] =	ssyncadd.remote.s32 $0x1  }
0xc0: {  	_ =	sfence.sel $0xFFFF  }
0xc1: {  	[dreg:$0x0] =	wrdreg $0xFFFFFFFF;
	(pc) =	sbr.abs _section_cstart, $3  }
0xc2: {  	[dreg:$0x1] =	wrdreg $0xFFFFFFFF  }
0xc3: {  	_ =	task.clear_ibuf [dreg:s8], $0x2FFFF;
	_ =	strace $0x9FFFFFFF  }
0xc4: {  	(tm) =	ssettm $0x7FFFFFFF  }
0xc5: {  	_ =	shalt  }
tec
execute0_lowered:
.L_overlay_start_1:
0x0: {  	(tag) =	ssettag $0x1  }
0x1: {  	s1 =	rddreg [dreg:$0x0]  }
0x2: {  	s4 =	rddreg [dreg:$0x1]  }
0x3: {  	s5 =	rddreg [dreg:$0x2]  }
0x4: {  	s3 =	simm.s32 $0x0;
	s0 =	stileid.u32;
	s7 =	srdreg.scid  }
0x5: {  	s12 =	simm.s32 $0x9000;
	s13 =	simm.s32 $0x180;
	s14 =	simm.s32 $0xD000  }
0x6: {  	s15 =	simm.s32 $0x200;
	s16 =	simm.s32 $0x11000;
	s17 =	simm.s32 $0x1  }
0x7: {  	s18 =	simm.s32 $0x2;
	s19 =	simm.s32 $0x3;
	s20 =	simm.s32 $0x4  }
0x8: {  	s21 =	simm.s32 $0x5;
	s22 =	simm.s32 $0x6;
	s23 =	simm.s32 $0x7  }
0x9: {  	s24 =	simm.s32 $0x8;
	s25 =	simm.s32 $0x9;
	s26 =	simm.s32 $0xA  }
0xa: {  	s28 =	simm.s32 $0x0;
	[smem:$0x7FF] =	sst s3;
	s6 =	smul.u32 $0x19000, s0  }
0xb: {  	s7 =	sand.u32 $0x1, s7;
	s10 =	sshll.u32 s0, $0xA;
	_ =	strace $0x80000047  }
0xc: {  	s31 =	ssub.s32 $0x2, s7;
	s8 =	smul.u32 $0xC800, s7;
	s7 =	sshll.u32 s7, $0x9  }
0xd: {  	s5 =	sadd.s32 s6, s5;
	s9 =	sshrl.u32 s31, $0x1;
	s7 =	sor.u32 s7, s10  }
0xe: {  	s10 =	simm.s32 $0x5000;
	s6 =	ssub.s32 s31, s9;
	s8 =	sadd.s32 s8, s5  }
0xf: {  	s4 =	sadd.s32 s4, s7;
	s7 =	simm.s32 $0xB;
	s9 =	simm.s32 $0x1000  }
0x10: {  	s5 =	smax.u32 s6, $0x1;
	s6 =	sadd.s32 $0x4A00, s8;
	s8 =	simm.s32 $0x80  }
.LBB2_1:
0x11: {  	[tilespmem:s3], [sflag:$0xB] =	stream.linear.gather [hbm4b:s4+s3], $0xC80, $0x38;
	[tilespmem:$0x15000] =	vst v63  }
0x12: {  	_ =	swait.ge [sflag:s7], $0xC80  }
0x13: {  	[sflag:s7] =	ssyncset.done $0x0  }
0x14: {  	[sflag:s7] =	ssyncadd.s32 $0xFFFFF380  }
0x15: {  	[tilespmem:s9], [sflag:$0x1] =	stream.indirect.gather [hbm4b:s1+s8], $0x80, s3, s8, $0xb8;
	[tilespmem:$0x15000] =	vst v63  }
0x16: {  	_ = 	snop  }
0x17: {  	[tilespmem:s10], [sflag:$0x2] =	stream.indirect.gather [hbm4b:s1+s8], $0x80, s8, s8, $0xb8;
	[tilespmem:$0x15000] =	vst v63  }
0x18: {  	s0 =	simm.s32 $0x100  }
0x19: {  	[tilespmem:s12], [sflag:$0x3] =	stream.indirect.gather [hbm4b:s1+s8], $0x80, s0, s8, $0xb8;
	[tilespmem:$0x15000] =	vst v63  }
0x1a: {  	_ = 	snop  }
0x1b: {  	[tilespmem:s14], [sflag:$0x4] =	stream.indirect.gather [hbm4b:s1+s8], $0x80, s13, s8, $0xb8;
	[tilespmem:$0x15000] =	vst v63  }
0x1c: {  	s29 =	smov.u32 s6;
	s30 =	simm.s32 $0x0  }
0x1d: {  	[tilespmem:s16], [sflag:$0x5] =	stream.indirect.gather [hbm4b:s1+s8], $0x80, s15, s8, $0xb8;
	[tilespmem:$0x15000] =	vst v63  }
.LBB2_2:
0x1e: {  	_ =	swait.ge [sflag:s17], $0x4000  }
0x1f: {  	[sflag:s17] =	ssyncset.done $0x0  }
0x20: {  	s31 =	sadd.s32 $0xFFFFE000, s29;
	[sflag:s17] =	ssyncadd.s32 $0xFFFFC000  }
0x21: {  	[hbm4b:s31+s3] =	stream.linear.scatter [tilespmem:s9], [sflag:$0x6], $0x4000, $0x38;
	[tilespmem:$0x15000] =	vst v63  }
0x22: {  	_ =	swait.ge [sflag:s18], $0x4000  }
0x23: {  	[sflag:s18] =	ssyncset.done $0x0  }
0x24: {  	s0 =	sadd.s32 $0xFFFFE800, s29;
	[sflag:s18] =	ssyncadd.s32 $0xFFFFC000  }
0x25: {  	[hbm4b:s0+s3] =	stream.linear.scatter [tilespmem:s10], [sflag:$0x7], $0x4000, $0x38;
	[tilespmem:$0x15000] =	vst v63  }
0x26: {  	_ =	swait.ge [sflag:s19], $0x4000  }
0x27: {  	[sflag:s19] =	ssyncset.done $0x0  }
0x28: {  	s2 =	sadd.s32 $0xFFFFF000, s29;
	[sflag:s19] =	ssyncadd.s32 $0xFFFFC000  }
0x29: {  	[hbm4b:s2+s3] =	stream.linear.scatter [tilespmem:s12], [sflag:$0x8], $0x4000, $0x38;
	[tilespmem:$0x15000] =	vst v63  }
0x2a: {  	_ =	swait.ge [sflag:s20], $0x4000  }
0x2b: {  	[sflag:s20] =	ssyncset.done $0x0  }
0x2c: {  	s11 =	sadd.s32 $0xFFFFF800, s29;
	[sflag:s20] =	ssyncadd.s32 $0xFFFFC000  }
0x2d: {  	[hbm4b:s11+s3] =	stream.linear.scatter [tilespmem:s14], [sflag:$0x9], $0x4000, $0x38;
	[tilespmem:$0x15000] =	vst v63  }
0x2e: {  	_ =	swait.ge [sflag:s21], $0x4000  }
0x2f: {  	p0 =	seq.s32 s30, $0x2800;
	[sflag:s21] =	ssyncset.done $0x0  }
0x30: {  	s31 =	simm.s32 @!p0 $0x6;
	[sflag:s21] =	ssyncadd.s32 $0xFFFFC000  }
0x31: {  	[hbm4b:s29+s3] =	stream.linear.scatter [tilespmem:s16], [sflag:$0xA], $0x4000, $0x38;
	[tilespmem:$0x15000] =	vst v63  }
0x32: {  	_ =	swait.ge @!p0 [sflag:s31], $0x4000  }
0x33: {  	[sflag:s31] =	ssyncset.done @!p0 $0x0  }
0x34: {  	[sflag:s31] =	ssyncadd.s32 @!p0 $0xFFFFC000;
	s31 =	sshra.s32 @!p0 s30, $0x2  }
0x35: {  	s2 =	simm.s32 @!p0 $0x80;
	s11 =	simm.s32 @!p0 $0x1000;
	s0 =	sadd.s32 @!p0 $0x280, s31  }
0x36: {  	[tilespmem:s11], [sflag:$0x1] =	stream.indirect.gather @!p0 [hbm4b:s1+s2], $0x80, s0, s2, $0xb8;
	[tilespmem:$0x15000] =	vst v63  }
0x37: {  	s0 =	simm.s32 @!p0 $0x7  }
0x38: {  	_ =	swait.ge @!p0 [sflag:s0], $0x4000  }
0x39: {  	[sflag:s0] =	ssyncset.done @!p0 $0x0  }
0x3a: {  	s11 =	simm.s32 @!p0 $0x5000;
	[sflag:s0] =	ssyncadd.s32 @!p0 $0xFFFFC000;
	s0 =	sadd.s32 @!p0 $0x300, s31  }
0x3b: {  	[tilespmem:s11], [sflag:$0x2] =	stream.indirect.gather @!p0 [hbm4b:s1+s2], $0x80, s0, s2, $0xb8;
	[tilespmem:$0x15000] =	vst v63  }
0x3c: {  	s0 =	simm.s32 @!p0 $0x8  }
0x3d: {  	_ =	swait.ge @!p0 [sflag:s0], $0x4000  }
0x3e: {  	[sflag:s0] =	ssyncset.done @!p0 $0x0  }
0x3f: {  	s11 =	simm.s32 @!p0 $0x9000;
	[sflag:s0] =	ssyncadd.s32 @!p0 $0xFFFFC000;
	s0 =	sadd.s32 @!p0 $0x380, s31  }
0x40: {  	[tilespmem:s11], [sflag:$0x3] =	stream.indirect.gather @!p0 [hbm4b:s1+s2], $0x80, s0, s2, $0xb8;
	[tilespmem:$0x15000] =	vst v63  }
0x41: {  	s30 =	sadd.s32 @!p0 $0xA00, s30;
	s0 =	simm.s32 @!p0 $0x9  }
0x42: {  	p1 =	sne.s32 @!p0 s30, $0x3200;
	_ =	swait.ge @!p0 [sflag:s0], $0x4000  }
0x43: {  	p1 =	por p0, !p1;
	[sflag:s0] =	ssyncset.done @!p0 $0x0  }
0x44: {  	s11 =	simm.s32 @!p0 $0xD000;
	[sflag:s0] =	ssyncadd.s32 @!p0 $0xFFFFC000;
	s0 =	sadd.s32 @!p0 $0x400, s31  }
0x45: {  	[tilespmem:s11], [sflag:$0x4] =	stream.indirect.gather @!p0 [hbm4b:s1+s2], $0x80, s0, s2, $0xb8;
	[tilespmem:$0x15000] =	vst v63  }
.Ltmp0:
0x46: {  	s0 =	simm.s32 @!p0 $0xA;
	(pc) =	sbr.rel @!p1 .LBB2_2-.Ltmp0, $4  }
0x47: {  	_ =	swait.ge @!p0 [sflag:s0], $0x4000  }
0x48: {  	s29 =	sadd.s32 @!p0 $0x2800, s29;
	[sflag:s0] =	ssyncset.done @!p0 $0x0  }
0x49: {  	s11 =	simm.s32 @!p0 $0x11000;
	[sflag:s0] =	ssyncadd.s32 @!p0 $0xFFFFC000;
	s0 =	sadd.s32 @!p0 $0x480, s31  }
0x4a: {  	[tilespmem:s11], [sflag:$0x5] =	stream.indirect.gather @!p0 [hbm4b:s1+s2], $0x80, s0, s2, $0xb8;
	[tilespmem:$0x15000] =	vst v63  }
0x4b: {  	_ =	swait.ge [sflag:s22], $0x4000  }
0x4c: {  	[sflag:s22] =	ssyncset.done $0x0  }
0x4d: {  	[sflag:s22] =	ssyncadd.s32 $0xFFFFC000  }
0x4e: {  	_ =	swait.ge [sflag:s23], $0x4000  }
0x4f: {  	[sflag:s23] =	ssyncset.done $0x0  }
0x50: {  	[sflag:s23] =	ssyncadd.s32 $0xFFFFC000  }
0x51: {  	_ =	swait.ge [sflag:s24], $0x4000  }
0x52: {  	[sflag:s24] =	ssyncset.done $0x0  }
0x53: {  	s28 =	sadd.s32 $0x1, s28;
	[sflag:s24] =	ssyncadd.s32 $0xFFFFC000  }
0x54: {  	p0 =	sne.s32 s28, s5;
	_ =	swait.ge [sflag:s25], $0x4000  }
.Ltmp1:
0x55: {  	[sflag:s25] =	ssyncset.done $0x0;
	(pc) =	sbr.rel @p0 .LBB2_1-.Ltmp1, $4  }
0x56: {  	[sflag:s25] =	ssyncadd.s32 $0xFFFFC000  }
0x57: {  	_ =	swait.ge [sflag:s26], $0x4000  }
0x58: {  	[sflag:s26] =	ssyncset.done $0x0  }
0x59: {  	[sflag:s26] =	ssyncadd.s32 $0xFFFFC000  }
0x5a: {  	_ =	sfence.sel $0x180000  }
0x5b: {  	[bflag:$0x0] =	sbarrier.arrive $0xFFFF  }
0x5c: {  	_ =	strace $0x90000047  }
0x5d: {  	s0 =	stileid.u32;
	[bflag:$0x2] =	sbarrier.arrive $0xFFFF  }
0x5e: {  	p0 =	sne.s32 s0, $0x0;
	s0 =	rddreg [dreg:$0x3]  }
0x5f: {  	s0 =	sadd.s32 @!p0 $0x100000, s0  }
0x60: {  	[sflag:s0] =	ssyncadd.tile.s32 @!p0 $0x1;
	_ =	shalt  }
.Lfunc_end2:
_tile_overlayer_lowered:
.L_overlay_start_2:
0x61: {  	(tag) =	ssettag $0x2  }
0x62: {  	s0 =	rddreg [dreg:$0x0];
	s2 =	stileid.u32  }
0x63: {  	s1 =	rddreg [dreg:$0x1];
	p0 =	sne.s32 s2, $0x0  }
0x64: {  	s3 =	rddreg [dreg:$0x2];
	[bflag:$0x3] =	sbarrier.arrive $0xFFFF;
	s2 =	simm.s32 @!p0 $0x1C0B  }
0x65: {  	[timem:s3], [sflag:s2] =	dma.local @!p0 [hbm:s0], s1  }
0x66: {  	s0 =	simm.s32 @!p0 $0xB  }
0x67: {  	_ =	swait.ge @!p0 [sflag:s0], s1  }
0x68: {  	s1 =	ssub.s32 @!p0 $0x0, s1;
	[sflag:s0] =	ssyncset.done @!p0 $0x0  }
0x69: {  	[sflag:s0] =	ssyncadd.s32 @!p0 s1  }
0x6a: {  	[bflag:$0x3] =	sbarrier.arrive $0xFFFF  }
0x6b: {  	_ =	shalt  }

// kernel: kernel.9.cloned.1.call-start
scs
__scs_entry_jumppad:
0x0: {  	(pc) =	sbr.rel $0x88, $3  }
0x1: {  	(tag) =	ssettag $0x0;
	lr =	simm.s32 $0x1  }
0x2: {  	[smem:$0x3F8F] =	sst lr;
	_ =	strace $0xD0000000  }
0x3: {  	_ = 	snop  }
0x4: {  	_ = 	snop  }
0x5: {  	_ = 	snop  }
0x6: {  	_ = 	snop  }
0x7: {  	_ = 	snop  }
__scs_overlays_trampoline_lowered:
0x8: {  	[smem:$0x3F9E] =	sst s0  }
0x9: {  	[smem:$0x3F9F] =	sst s1  }
0xa: {  	[smem:$0x3FA0] =	sst s2  }
0xb: {  	[smem:$0x3FA1] =	sst s3  }
0xc: {  	[smem:$0x3FA2] =	sst s4  }
0xd: {  	[smem:$0x3FA3] =	sst s5  }
0xe: {  	[smem:$0x3FA4] =	sst s6  }
0xf: {  	[smem:$0x3FA5] =	sst s7  }
0x10: {  	[smem:$0x3FA6] =	sst s8  }
0x11: {  	[smem:$0x3FA7] =	sst s9;
	s0 =	simm.s32 @!p0 $0x0  }
0x12: {  	s1 =	sld [smem:$0x3F8D];
	s0 =	simm.s32 @p0 $0x1  }
0x13: {  	[smem:$0x3FA8] =	sst s0;
	s0 =	simm.s32 @!p1 $0x0  }
0x14: {  	s2 =	sld [smem:$0x3F8C];
	s0 =	simm.s32 @p1 $0x1  }
0x15: {  	[smem:$0x3FA9] =	sst s0;
	s0 =	simm.s32 @!p2 $0x0  }
0x16: {  	s3 =	sld [smem:$0x3FDB];
	s0 =	simm.s32 @p2 $0x1  }
0x17: {  	s4 =	simm.s32 $0x1BF5;
	[smem:$0x3FAB] =	sst s0  }
0x18: {  	s0 =	sld [smem:$0x3F8E];
	_ =	swait.ge [sflag:s4], $0x0  }
0x19: {  	s7 =	sld [smem:$0x3F8F]  }
0x1a: {  	s8 =	sadd.s32 $0xFFFFE003, lr  }
0x1b: {  	s9 =	sadd.s32 $0xFFFFFEF7, lr;
	s5 =	simm.s32 $0xFFFFFFFF;
	p2 =	slt.u32 s8, $0xFFFFF086  }
0x1c: {  	p1 =	slt.u32 s9, $0xF7A;
	s5 =	simm.s32 @!p2 $0x0  }
0x1d: {  	s5 =	simm.s32 @p1 $0x1;
	p0 =	seq.s32 s7, s2  }
0x1e: {  	s7 =	smul.u32 @!p0 $0xF7A, s2;
	p2 =	seq.s32 @!p0 s5, $0x0  }
0x1f: {  	s9 =	smul.u32 $0xF7A, s1;
	s8 =	simm.s32 @!p0 $0x1BF5;
	p2 =	por !p2, p0  }
0x20: {  	[sflag:s8] =	ssyncset.s32 @!p0 $0xFFFFF086;
	s6 =	sadd.s32 @!p0 s3, s7;
	s7 =	simm.s32 @!p0 $0x108  }
0x21: {  	s3 =	sadd.s32 s3, s9;
	s6 =	sadd.s32 @!p0 $0x88, s6;
	s7 =	simm.s32 @p2 $0x1082  }
0x22: {  	[simem:s7], [sflag:s8] =	dma.local @!p0 [hbm:s6], $0xF7A  }
0x23: {  	s9 =	sor.u32 $0xD0000000, s2;
	s6 =	simm.s32 $0x108;
	_ =	swait.ge @!p0 [sflag:s8], $0x0  }
0x24: {  	s3 =	sadd.s32 $0x88, s3;
	s6 =	simm.s32 @!p1 $0x1082;
	[sflag:s4] =	ssyncset.s32 $0xFFFFF086  }
0x25: {  	[simem:s6], [sflag:s4] =	dma.local [hbm:s3], $0xF7A  }
0x26: {  	[smem:$0x3F8F] =	sst s1;
	(tag) =	ssettag s2;
	_ =	strace s9  }
0x27: {  	s1 =	sld [smem:$0x3F9F]  }
0x28: {  	s2 =	sld [smem:$0x3FA0]  }
0x29: {  	s4 =	sld [smem:$0x3FA2]  }
0x2a: {  	p0 =	seq.s32 s5, $0x0;
	s5 =	sld [smem:$0x3FA3]  }
0x2b: {  	s6 =	sld [smem:$0x3FA4]  }
0x2c: {  	s7 =	sld [smem:$0x3FA5]  }
0x2d: {  	s3 =	simm.s32 $0x108;
	s8 =	sld [smem:$0x3FA6]  }
0x2e: {  	s3 =	simm.s32 @!p0 $0x1082;
	s9 =	sld [smem:$0x3FA7]  }
0x2f: {  	lr =	sadd.s32 s0, s3;
	s0 =	sld [smem:$0x3F9E]  }
0x30: {  	s3 =	sld [smem:$0x3FA1]  }
0x31: {  	[smem:$0x3FAA] =	sst s10  }
0x32: {  	s10 =	sld [smem:$0x3FA8];
	_ =	sdelay $0x3  }
0x33: {  	p0 =	seq.s32 s10, $0x1;
	s10 =	sld [smem:$0x3FAA];
	_ =	sdelay $0x3  }
0x34: {  	[smem:$0x3FAA] =	sst s10  }
0x35: {  	s10 =	sld [smem:$0x3FA9];
	_ =	sdelay $0x3  }
0x36: {  	p1 =	seq.s32 s10, $0x1;
	s10 =	sld [smem:$0x3FAA];
	_ =	sdelay $0x3  }
0x37: {  	[smem:$0x3FAA] =	sst s10  }
0x38: {  	s10 =	sld [smem:$0x3FAB]  }
0x39: {  	_ = 	snop;
	(pc) =	sbr.ind lr, $3  }
0x3a: {  	_ = 	snop  }
0x3b: {  	_ = 	snop  }
0x3c: {  	p2 =	seq.s32 s10, $0x1;
	s10 =	sld [smem:$0x3FAA]  }
0x3d: {  	_ =	shalt  }
0x3e: {  	_ =	shalt  }
0x3f: {  	_ =	shalt  }
0x40: {  	_ =	shalt  }
0x41: {  	_ =	shalt  }
0x42: {  	_ =	shalt  }
0x43: {  	_ =	shalt  }
0x44: {  	_ =	shalt  }
0x45: {  	_ =	shalt  }
0x46: {  	_ =	shalt  }
0x47: {  	_ =	shalt  }
0x48: {  	_ =	shalt  }
0x49: {  	_ =	shalt  }
0x4a: {  	_ =	shalt  }
0x4b: {  	_ =	shalt  }
0x4c: {  	_ =	shalt  }
0x4d: {  	_ =	shalt  }
0x4e: {  	_ =	shalt  }
0x4f: {  	_ =	shalt  }
0x50: {  	_ =	shalt  }
0x51: {  	_ =	shalt  }
0x52: {  	_ =	shalt  }
0x53: {  	_ =	shalt  }
0x54: {  	_ =	shalt  }
0x55: {  	_ =	shalt  }
0x56: {  	_ =	shalt  }
0x57: {  	_ =	shalt  }
0x58: {  	_ =	shalt  }
0x59: {  	_ =	shalt  }
0x5a: {  	_ =	shalt  }
0x5b: {  	_ =	shalt  }
0x5c: {  	_ =	shalt  }
0x5d: {  	_ =	shalt  }
0x5e: {  	_ =	shalt  }
0x5f: {  	_ =	shalt  }
0x60: {  	_ =	shalt  }
0x61: {  	_ =	shalt  }
0x62: {  	_ =	shalt  }
0x63: {  	_ =	shalt  }
0x64: {  	_ =	shalt  }
0x65: {  	_ =	shalt  }
0x66: {  	_ =	shalt  }
0x67: {  	_ =	shalt  }
0x68: {  	_ =	shalt  }
0x69: {  	_ =	shalt  }
0x6a: {  	_ =	shalt  }
0x6b: {  	_ =	shalt  }
0x6c: {  	_ =	shalt  }
0x6d: {  	_ =	shalt  }
0x6e: {  	_ =	shalt  }
0x6f: {  	_ =	shalt  }
0x70: {  	_ =	shalt  }
0x71: {  	_ =	shalt  }
0x72: {  	_ =	shalt  }
0x73: {  	_ =	shalt  }
0x74: {  	_ =	shalt  }
0x75: {  	_ =	shalt  }
0x76: {  	_ =	shalt  }
0x77: {  	_ =	shalt  }
0x78: {  	_ =	shalt  }
0x79: {  	_ =	shalt  }
0x7a: {  	_ =	shalt  }
0x7b: {  	_ =	shalt  }
0x7c: {  	_ =	shalt  }
0x7d: {  	_ =	shalt  }
0x7e: {  	_ =	shalt  }
0x7f: {  	_ =	shalt  }
0x80: {  	_ =	shalt  }
0x81: {  	_ =	shalt  }
0x82: {  	_ =	shalt  }
0x83: {  	_ =	shalt  }
0x84: {  	_ =	shalt  }
0x85: {  	_ =	shalt  }
0x86: {  	_ =	shalt  }
0x87: {  	_ =	shalt  }
.Lfunc_end0:
.L_simem_size_0:
called_computation.1_lowered:
.L_overlay_start_0:
0x88: {  	s2 =	sld [smem:$0x3FD9]  }
0x89: {  	s3 =	sld [smem:$0x3FFE];
	_ =	sdelay $0x1  }
0x8a: {  	s1 =	srdreg.scid  }
0x8b: {  	s0 =	sand.u32 $0x1, s1  }
0x8c: {  	s17 =	sshll.u32 s0, $0xA;
	s2 =	sadd.s32 s3, s2  }
0x8d: {  	s2 =	sadd.s32 s2, s17  }
0x8e: {  	[smem:$0x3FB6] =	sst s2  }
0x8f: {  	_ = 	snop  }
0x90: {  	s18 =	sld [smem:$0x3FC3];
	(tm) =	ssettm $0x1  }
0x91: {  	s19 =	sld [smem:$0x3FFB];
	_ =	sdelay $0x3  }
0x92: {  	_ =	strace s19  }
0x93: {  	s2 =	sld [smem:$0x3FFC];
	_ =	sdelay $0x3  }
0x94: {  	_ =	strace s2  }
0x95: {  	s2 =	sld [smem:$0x3FFD];
	_ =	sdelay $0x3  }
0x96: {  	_ =	strace s2  }
0x97: {  	_ =	strace $0x8FFFFFFF  }
0x98: {  	s20 =	sld [smem:$0x3FDB];
	_ =	sdelay $0x1  }
0x99: {  	s4 =	simm.s32 $_scs_section_size  }
0x9a: {  	s5 =	simm.s32 $_size__tile_overlayer_lowered;
	s6 =	simm.s32 $_tile_overlayer_lowered  }
0x9b: {  	s7 =	simm.s32 $0x1BFF;
	s21 =	sshll.u32 s6, $0x1;
	s4 =	sadd.s32 s4, s20  }
0x9c: {  	s22 =	simm.s32 $0x0;
	s5 =	sshll.u32 s5, $0x1;
	s6 =	sadd.s32 s21, s4  }
0x9d: {  	[timem:s22], [sflag:s7] =	dma.local [hbm:s6], s5  }
0x9e: {  	_ =	swait.ge [sflag:s7], s5  }
0x9f: {  	s5 =	ssub.s32 $0x0, s5;
	[sflag:s7] =	ssyncset.done $0x0  }
0xa0: {  	[sflag:s7] =	ssyncadd.s32 s5;
	_ =	sdelay $0x1  }
0xa1: {  	s23 =	simm.s32 $0x1B8B  }
0xa2: {  	_ =	swait.ge [sflag:s23], $0x1  }
0xa3: {  	[sflag:s23] =	ssyncset.done $0x0  }
0xa4: {  	[sflag:s23] =	ssyncadd.s32 $0xFFFFFFFF  }
0xa5: {  	s5 =	sld [smem:$0x0]  }
0xa6: {  	s6 =	sand.u32 $0xFFFFFFFE, s1  }
0xa7: {  	p0 =	sne.s32 s1, s6  }
0xa8: {  	s6 =	sshll.u32 @p0 s6, $0xE  }
0xa9: {  	s6 =	sadd.s32 @p0 $0x11B8D, s6;
	s7 =	sshll.u32 @p0 s5, $0x11  }
0xaa: {  	s6 =	sor.u32 @p0 s7, s6  }
0xab: {  	[sflag:s6] =	ssyncadd.remote.s32 @p0 $0x1;
	_ =	sdelay $0x1  }
0xac: {  	s6 =	simm.s32 @p0 $0x1B8D  }
0xad: {  	_ =	swait.eq @p0 [sflag:s6], $0x1  }
0xae: {  	[sflag:s6] =	ssyncadd.s32 @p0 $0xFFFFFFFF  }
0xaf: {  	s7 =	sshll.u32 @!p0 s1, $0xE  }
0xb0: {  	s7 =	sor.u32 @!p0 $0x4000, s7;
	s6 =	simm.s32 @!p0 $0x1B8D  }
0xb1: {  	s5 =	sshll.u32 @!p0 s5, $0x11;
	s7 =	sadd.s32 @!p0 $0x11B8D, s7;
	_ =	swait.eq @!p0 [sflag:s6], $0x1  }
0xb2: {  	s5 =	sor.u32 @!p0 s5, s7;
	[sflag:s6] =	ssyncadd.s32 @!p0 $0xFFFFFFFF  }
0xb3: {  	s25 =	simm.s32 $0x1B8E;
	s24 =	sld [smem:$0x3FFE];
	[sflag:s5] =	ssyncadd.remote.s32 @!p0 $0x1  }
0xb4: {  	s26 =	simm.s32 $execute0_lowered;
	[smem:$0x3FD2] =	sst s25  }
0xb5: {  	s6 =	sshll.u32 s26, $0x1;
	_ =	strace $0x80000049;
	[dreg:$0x1] =	wrdreg $0xFFFFFFFF  }
0xb6: {  	s28 =	simm.s32 $_size_execute0_lowered;
	s4 =	sadd.s32 s4, s6;
	[dreg:$0x0] =	wrdreg $0x0  }
0xb7: {  	s6 =	sshll.u32 s28, $0x1;
	[dreg:$0x2] =	wrdreg s4  }
0xb8: {  	[dreg:$0x3] =	wrdreg s6  }
0xb9: {  	[dreg:$0x4] =	wrdreg $0xC0  }
0xba: {  	_ =	task [dreg:s22], $0x5FFFF  }
0xbb: {  	[dreg:$0x1] =	wrdreg $0xFFFFFFFF  }
0xbc: {  	[dreg:$0x0] =	wrdreg $0x60  }
0xbd: {  	[dreg:$0x2] =	wrdreg s18  }
0xbe: {  	[dreg:$0x3] =	wrdreg s24  }
0xbf: {  	[dreg:$0x4] =	wrdreg $0xA  }
0xc0: {  	_ =	task.clear_ibuf [dreg:s22], $0x5FFFF;
	_ =	strace $0x90000049  }
0xc1: {  	s29 =	simm.s32 $0xA;
	_ =	strace $0x8000004B  }
0xc2: {  	_ =	swait.ge [sflag:s29], $0x1  }
0xc3: {  	[sflag:s29] =	ssyncadd.s32 $0xFFFFFFFF  }
0xc4: {  	_ =	strace $0x9000004B  }
0xc5: {  	_ =	sfence  }
0xc6: {  	s30 =	sld [smem:$0x0];
	_ =	sdelay $0x2  }
0xc7: {  	s31 =	sshll.u32 s1, $0xD;
	s1 =	sshrl.u32 s1, $0x2  }
0xc8: {  	s4 =	sand.u32 $0x4000, s31;
	s1 =	sadd.s32 s1, s30  }
0xc9: {  	s0 =	sor.u32 s4, s0;
	s1 =	sshll.u32 s1, $0x11  }
0xca: {  	s0 =	sor.u32 s1, s0  }
0xcb: {  	s0 =	sadd.s32 $0x8F2B, s0  }
0xcc: {  	[sflag:s0] =	ssyncadd.remote.s32 $0x1  }
0xcd: {  	_ =	sfence.sel $0xFFFF  }
0xce: {  	[dreg:$0x0] =	wrdreg $0xFFFFFFFF;
	(pc) =	sbr.abs _section_cstart, $3  }
0xcf: {  	[dreg:$0x1] =	wrdreg $0xFFFFFFFF  }
0xd0: {  	_ =	task.clear_ibuf [dreg:s22], $0x2FFFF;
	_ =	strace $0x9FFFFFFF  }
0xd1: {  	(tm) =	ssettm $0x7FFFFFFF  }
tec
execute0_lowered:
.L_overlay_start_1:
0x0: {  	(tag) =	ssettag $0x1  }
0x1: {  	s1 =	rddreg [dreg:$0x0]  }
0x2: {  	s4 =	rddreg [dreg:$0x1];
	s3 =	simm.s32 $0x0  }
0x3: {  	s5 =	srdreg.scid;
	s0 =	stileid.u32;
	s10 =	simm.s32 $0x5000  }
0x4: {  	s12 =	simm.s32 $0x9000;
	s13 =	simm.s32 $0x180;
	s14 =	simm.s32 $0xD000  }
0x5: {  	s15 =	simm.s32 $0x200;
	s16 =	simm.s32 $0x11000;
	s17 =	simm.s32 $0x1  }
0x6: {  	s18 =	simm.s32 $0x2;
	s19 =	simm.s32 $0x3;
	s20 =	simm.s32 $0x4  }
0x7: {  	s21 =	simm.s32 $0x5;
	s22 =	simm.s32 $0x6;
	s23 =	simm.s32 $0x7  }
0x8: {  	s24 =	simm.s32 $0x8;
	s25 =	simm.s32 $0x9;
	s26 =	simm.s32 $0xA  }
0x9: {  	s28 =	simm.s32 $0x0;
	[smem:$0x7FF] =	sst s3;
	s5 =	sand.u32 $0x1, s5  }
0xa: {  	s6 =	sshll.u32 s0, $0xA;
	s7 =	smul.u32 $0x19000, s0;
	_ =	strace $0x8000004A  }
0xb: {  	s8 =	sshll.u32 s5, $0x9;
	s9 =	ssub.s32 $0x2, s5;
	s5 =	smul.u32 $0xC800, s5  }
0xc: {  	s6 =	sor.u32 s8, s6;
	s7 =	sadd.s32 s7, s4;
	s30 =	sshrl.u32 s9, $0x1  }
0xd: {  	s8 =	simm.s32 $0x80;
	s4 =	sadd.s32 s6, s4;
	s31 =	ssub.s32 s9, s30  }
0xe: {  	s7 =	sadd.s32 s5, s7;
	s9 =	simm.s32 $0x1000;
	s4 =	sadd.s32 $0x192A00, s4  }
0xf: {  	s5 =	smax.u32 s31, $0x1;
	s6 =	sadd.s32 $0x198A00, s7;
	s7 =	simm.s32 $0xB  }
.LBB2_1:
0x10: {  	[tilespmem:s3], [sflag:$0xB] =	stream.linear.gather [hbm4b:s4+s3], $0xC80, $0x38;
	[tilespmem:$0x15000] =	vst v63  }
0x11: {  	_ =	swait.ge [sflag:s7], $0xC80  }
0x12: {  	[sflag:s7] =	ssyncset.done $0x0  }
0x13: {  	[sflag:s7] =	ssyncadd.s32 $0xFFFFF380  }
0x14: {  	[tilespmem:s9], [sflag:$0x1] =	stream.indirect.gather [hbm4b:s1+s8], $0x80, s3, s8, $0xb8;
	[tilespmem:$0x15000] =	vst v63  }
0x15: {  	_ = 	snop  }
0x16: {  	[tilespmem:s10], [sflag:$0x2] =	stream.indirect.gather [hbm4b:s1+s8], $0x80, s8, s8, $0xb8;
	[tilespmem:$0x15000] =	vst v63  }
0x17: {  	s0 =	simm.s32 $0x100  }
0x18: {  	[tilespmem:s12], [sflag:$0x3] =	stream.indirect.gather [hbm4b:s1+s8], $0x80, s0, s8, $0xb8;
	[tilespmem:$0x15000] =	vst v63  }
0x19: {  	_ = 	snop  }
0x1a: {  	[tilespmem:s14], [sflag:$0x4] =	stream.indirect.gather [hbm4b:s1+s8], $0x80, s13, s8, $0xb8;
	[tilespmem:$0x15000] =	vst v63  }
0x1b: {  	s29 =	smov.u32 s6;
	s30 =	simm.s32 $0x0  }
0x1c: {  	[tilespmem:s16], [sflag:$0x5] =	stream.indirect.gather [hbm4b:s1+s8], $0x80, s15, s8, $0xb8;
	[tilespmem:$0x15000] =	vst v63  }
.LBB2_2:
0x1d: {  	_ =	swait.ge [sflag:s17], $0x4000  }
0x1e: {  	[sflag:s17] =	ssyncset.done $0x0  }
0x1f: {  	s31 =	sadd.s32 $0xFFFFE000, s29;
	[sflag:s17] =	ssyncadd.s32 $0xFFFFC000  }
0x20: {  	[hbm4b:s31+s3] =	stream.linear.scatter [tilespmem:s9], [sflag:$0x6], $0x4000, $0x38;
	[tilespmem:$0x15000] =	vst v63  }
0x21: {  	_ =	swait.ge [sflag:s18], $0x4000  }
0x22: {  	[sflag:s18] =	ssyncset.done $0x0  }
0x23: {  	s0 =	sadd.s32 $0xFFFFE800, s29;
	[sflag:s18] =	ssyncadd.s32 $0xFFFFC000  }
0x24: {  	[hbm4b:s0+s3] =	stream.linear.scatter [tilespmem:s10], [sflag:$0x7], $0x4000, $0x38;
	[tilespmem:$0x15000] =	vst v63  }
0x25: {  	_ =	swait.ge [sflag:s19], $0x4000  }
0x26: {  	[sflag:s19] =	ssyncset.done $0x0  }
0x27: {  	s2 =	sadd.s32 $0xFFFFF000, s29;
	[sflag:s19] =	ssyncadd.s32 $0xFFFFC000  }
0x28: {  	[hbm4b:s2+s3] =	stream.linear.scatter [tilespmem:s12], [sflag:$0x8], $0x4000, $0x38;
	[tilespmem:$0x15000] =	vst v63  }
0x29: {  	_ =	swait.ge [sflag:s20], $0x4000  }
0x2a: {  	[sflag:s20] =	ssyncset.done $0x0  }
0x2b: {  	s11 =	sadd.s32 $0xFFFFF800, s29;
	[sflag:s20] =	ssyncadd.s32 $0xFFFFC000  }
0x2c: {  	[hbm4b:s11+s3] =	stream.linear.scatter [tilespmem:s14], [sflag:$0x9], $0x4000, $0x38;
	[tilespmem:$0x15000] =	vst v63  }
0x2d: {  	_ =	swait.ge [sflag:s21], $0x4000  }
0x2e: {  	p0 =	seq.s32 s30, $0x2800;
	[sflag:s21] =	ssyncset.done $0x0  }
0x2f: {  	s31 =	simm.s32 @!p0 $0x6;
	[sflag:s21] =	ssyncadd.s32 $0xFFFFC000  }
0x30: {  	[hbm4b:s29+s3] =	stream.linear.scatter [tilespmem:s16], [sflag:$0xA], $0x4000, $0x38;
	[tilespmem:$0x15000] =	vst v63  }
0x31: {  	_ =	swait.ge @!p0 [sflag:s31], $0x4000  }
0x32: {  	[sflag:s31] =	ssyncset.done @!p0 $0x0  }
0x33: {  	[sflag:s31] =	ssyncadd.s32 @!p0 $0xFFFFC000;
	s31 =	sshra.s32 @!p0 s30, $0x2  }
0x34: {  	s2 =	simm.s32 @!p0 $0x80;
	s11 =	simm.s32 @!p0 $0x1000;
	s0 =	sadd.s32 @!p0 $0x280, s31  }
0x35: {  	[tilespmem:s11], [sflag:$0x1] =	stream.indirect.gather @!p0 [hbm4b:s1+s2], $0x80, s0, s2, $0xb8;
	[tilespmem:$0x15000] =	vst v63  }
0x36: {  	s0 =	simm.s32 @!p0 $0x7  }
0x37: {  	_ =	swait.ge @!p0 [sflag:s0], $0x4000  }
0x38: {  	[sflag:s0] =	ssyncset.done @!p0 $0x0  }
0x39: {  	s11 =	simm.s32 @!p0 $0x5000;
	[sflag:s0] =	ssyncadd.s32 @!p0 $0xFFFFC000;
	s0 =	sadd.s32 @!p0 $0x300, s31  }
0x3a: {  	[tilespmem:s11], [sflag:$0x2] =	stream.indirect.gather @!p0 [hbm4b:s1+s2], $0x80, s0, s2, $0xb8;
	[tilespmem:$0x15000] =	vst v63  }
0x3b: {  	s0 =	simm.s32 @!p0 $0x8  }
0x3c: {  	_ =	swait.ge @!p0 [sflag:s0], $0x4000  }
0x3d: {  	[sflag:s0] =	ssyncset.done @!p0 $0x0  }
0x3e: {  	s11 =	simm.s32 @!p0 $0x9000;
	[sflag:s0] =	ssyncadd.s32 @!p0 $0xFFFFC000;
	s0 =	sadd.s32 @!p0 $0x380, s31  }
0x3f: {  	[tilespmem:s11], [sflag:$0x3] =	stream.indirect.gather @!p0 [hbm4b:s1+s2], $0x80, s0, s2, $0xb8;
	[tilespmem:$0x15000] =	vst v63  }
0x40: {  	s30 =	sadd.s32 @!p0 $0xA00, s30;
	s0 =	simm.s32 @!p0 $0x9  }
0x41: {  	p1 =	sne.s32 @!p0 s30, $0x3200;
	_ =	swait.ge @!p0 [sflag:s0], $0x4000  }
0x42: {  	p1 =	por p0, !p1;
	[sflag:s0] =	ssyncset.done @!p0 $0x0  }
0x43: {  	s11 =	simm.s32 @!p0 $0xD000;
	[sflag:s0] =	ssyncadd.s32 @!p0 $0xFFFFC000;
	s0 =	sadd.s32 @!p0 $0x400, s31  }
0x44: {  	[tilespmem:s11], [sflag:$0x4] =	stream.indirect.gather @!p0 [hbm4b:s1+s2], $0x80, s0, s2, $0xb8;
	[tilespmem:$0x15000] =	vst v63  }
.Ltmp0:
0x45: {  	s0 =	simm.s32 @!p0 $0xA;
	(pc) =	sbr.rel @!p1 .LBB2_2-.Ltmp0, $4  }
0x46: {  	_ =	swait.ge @!p0 [sflag:s0], $0x4000  }
0x47: {  	s29 =	sadd.s32 @!p0 $0x2800, s29;
	[sflag:s0] =	ssyncset.done @!p0 $0x0  }
0x48: {  	s11 =	simm.s32 @!p0 $0x11000;
	[sflag:s0] =	ssyncadd.s32 @!p0 $0xFFFFC000;
	s0 =	sadd.s32 @!p0 $0x480, s31  }
0x49: {  	[tilespmem:s11], [sflag:$0x5] =	stream.indirect.gather @!p0 [hbm4b:s1+s2], $0x80, s0, s2, $0xb8;
	[tilespmem:$0x15000] =	vst v63  }
0x4a: {  	_ =	swait.ge [sflag:s22], $0x4000  }
0x4b: {  	[sflag:s22] =	ssyncset.done $0x0  }
0x4c: {  	[sflag:s22] =	ssyncadd.s32 $0xFFFFC000  }
0x4d: {  	_ =	swait.ge [sflag:s23], $0x4000  }
0x4e: {  	[sflag:s23] =	ssyncset.done $0x0  }
0x4f: {  	[sflag:s23] =	ssyncadd.s32 $0xFFFFC000  }
0x50: {  	_ =	swait.ge [sflag:s24], $0x4000  }
0x51: {  	[sflag:s24] =	ssyncset.done $0x0  }
0x52: {  	s28 =	sadd.s32 $0x1, s28;
	[sflag:s24] =	ssyncadd.s32 $0xFFFFC000  }
0x53: {  	p0 =	sne.s32 s28, s5;
	_ =	swait.ge [sflag:s25], $0x4000  }
.Ltmp1:
0x54: {  	[sflag:s25] =	ssyncset.done $0x0;
	(pc) =	sbr.rel @p0 .LBB2_1-.Ltmp1, $4  }
0x55: {  	[sflag:s25] =	ssyncadd.s32 $0xFFFFC000  }
0x56: {  	_ =	swait.ge [sflag:s26], $0x4000  }
0x57: {  	[sflag:s26] =	ssyncset.done $0x0  }
0x58: {  	[sflag:s26] =	ssyncadd.s32 $0xFFFFC000  }
0x59: {  	_ =	sfence.sel $0x180000  }
0x5a: {  	[bflag:$0x0] =	sbarrier.arrive $0xFFFF  }
0x5b: {  	_ =	strace $0x9000004A  }
0x5c: {  	s0 =	stileid.u32;
	[bflag:$0x2] =	sbarrier.arrive $0xFFFF  }
0x5d: {  	p0 =	sne.s32 s0, $0x0;
	s0 =	rddreg [dreg:$0x2]  }
0x5e: {  	s0 =	sadd.s32 @!p0 $0x100000, s0  }
0x5f: {  	[sflag:s0] =	ssyncadd.tile.s32 @!p0 $0x1;
	_ =	shalt  }
.Lfunc_end2:
_tile_overlayer_lowered:
.L_overlay_start_2:
0x60: {  	(tag) =	ssettag $0x2  }
0x61: {  	s0 =	rddreg [dreg:$0x0];
	s2 =	stileid.u32  }
0x62: {  	s1 =	rddreg [dreg:$0x1];
	p0 =	sne.s32 s2, $0x0  }
0x63: {  	s3 =	rddreg [dreg:$0x2];
	[bflag:$0x3] =	sbarrier.arrive $0xFFFF;
	s2 =	simm.s32 @!p0 $0x1C0B  }
0x64: {  	[timem:s3], [sflag:s2] =	dma.local @!p0 [hbm:s0], s1  }
0x65: {  	s0 =	simm.s32 @!p0 $0xB  }
0x66: {  	_ =	swait.ge @!p0 [sflag:s0], s1  }
0x67: {  	s1 =	ssub.s32 @!p0 $0x0, s1;
	[sflag:s0] =	ssyncset.done @!p0 $0x0  }
0x68: {  	[sflag:s0] =	ssyncadd.s32 @!p0 s1  }
0x69: {  	[bflag:$0x3] =	sbarrier.arrive $0xFFFF  }
0x6a: {  	_ =	shalt  }

</sc_bundles>
